<compile_context>
chip_gen: v7x
topology: tpu7x:2x2x1
jax: 0.10.2.dev20260603
libtpu: 0.0.44.dev20260713+nightly
codegen_flags: <defaults>
</compile_context>

<pallas_src>
import functools

import numpy as np
import jax
import jax.numpy as jnp
from jax import lax
from jax.experimental import pallas as pl
from jax.experimental.pallas import tpu as pltpu
from jax.experimental.pallas import tpu_sc as plsc

_DIAG = 2
_CH = 256
_JW = 2
_JL = _CH // _JW


def _perm_np(ut_len: int) -> np.ndarray:
    seq = int(np.sqrt(2 * ut_len + 0.25) - 0.5) + _DIAG
    iu0, iu1 = np.triu_indices(seq, k=_DIAG)
    ids = np.zeros((seq, seq), np.int64)
    ids[iu0, iu1] = np.arange(ut_len)
    return ids[seq - 1 - iu1, seq - 1 - iu0].astype(np.int32)


def _chunk_index_table(batch: int, ut_len: int, perm: np.ndarray) -> np.ndarray:
    n_full = ut_len // _CH
    tail = ut_len - n_full * _CH
    cpb = n_full + (1 if tail else 0)
    out = np.zeros((cpb, _CH), np.int32)
    for c in range(cpb):
        n = _CH if c < n_full else tail
        out[c, :n] = perm[c * _CH:c * _CH + n]
        out[c, n:] = out[c, max(n - 1, 0)]
    return np.tile(out, (batch, 1)).reshape(batch * cpb, _JW, _JL)


@functools.lru_cache(maxsize=None)
def _build(batch: int, ut_len: int, head: int):
    n_full = ut_len // _CH
    tail = ut_len - n_full * _CH
    cpb = n_full + (1 if tail else 0)
    n_chunks = batch * cpb

    info = plsc.get_sparse_core_info()
    nw = info.num_cores * info.num_subcores
    steps = -(-n_chunks // nw)

    mesh = plsc.VectorSubcoreMesh(core_axis_name="c", subcore_axis_name="s")

    @functools.partial(
        pl.kernel,
        mesh=mesh,
        out_type=jax.ShapeDtypeStruct((batch, ut_len, head), jnp.float32),
        compiler_params=pltpu.CompilerParams(use_tc_tiling_on_sc=True),
        scratch_types=[
            pltpu.VMEM((_JW, _JL), jnp.int32),
            pltpu.VMEM((_JW, _JL), jnp.int32),
            pltpu.VMEM((_CH, 2 * head), jnp.float32),
            pltpu.VMEM((_CH, 2 * head), jnp.float32),
            pltpu.VMEM((_CH, head), jnp.float32),
            pltpu.SemaphoreType.DMA,
            pltpu.SemaphoreType.DMA,
        ],
    )
    def gather_kernel(x_hbm, idx_hbm, out_hbm, idx0, idx1, wide0, wide1,
                      nar, sem0, sem1):
        wid = lax.axis_index("s") * info.num_cores + lax.axis_index("c")
        idx_v = (idx0, idx1)
        wide_v = (wide0, wide1)
        sems = (sem0, sem1)

        def fire(slot, cid):
            @pl.when(cid < n_chunks)
            def _():
                b = cid // cpb
                pltpu.sync_copy(idx_hbm.at[cid], idx_v[slot])
                for j in range(_JW):
                    pltpu.async_copy(
                        x_hbm.at[b].at[idx_v[slot].at[j]],
                        wide_v[slot].at[pl.ds(j * _JL, _JL)],
                        sems[slot],
                    )

        def drain_write(slot, cid):
            @pl.when(cid < n_chunks)
            def _():
                pltpu.make_async_copy(
                    x_hbm.at[0, pl.ds(0, _CH)], wide_v[slot],
                    sems[slot]).wait()

                def compact(r4, carry):
                    for r in range(4):
                        for q in range(head // 16):
                            nar[r4 * 4 + r, pl.ds(q * 16, 16)] = (
                                wide_v[slot][r4 * 4 + r, pl.ds(q * 16, 16)])
                    return carry

                lax.fori_loop(0, _CH // 4, compact, 0)

                b = cid // cpb
                c = cid - b * cpb
                base = pl.multiple_of(c * _CH, _CH)

                @pl.when(c < n_full)
                def _():
                    pltpu.sync_copy(
                        nar, out_hbm.at[b, pl.ds(base, _CH)])

                if tail:
                    @pl.when(c == n_full)
                    def _():
                        pltpu.sync_copy(
                            nar.at[pl.ds(0, tail)],
                            out_hbm.at[b, pl.ds(n_full * _CH, tail)])

        fire(0, wid)

        def body(u, carry):
            c0 = (2 * u) * nw + wid
            fire(1, c0 + nw)
            drain_write(0, c0)
            fire(0, c0 + 2 * nw)
            drain_write(1, c0 + nw)
            return carry

        lax.fori_loop(0, -(-steps // 2), body, 0)

    return gather_kernel


def kernel(x, reverse):
    batch, ut_len, head = x.shape
    perm_idx = _chunk_index_table(batch, ut_len, _perm_np(ut_len))
    ident_idx = _chunk_index_table(
        batch, ut_len, np.arange(ut_len, dtype=np.int32))
    idx = jnp.where(jnp.asarray(reverse) != 0,
                    jnp.asarray(perm_idx), jnp.asarray(ident_idx))
    xp = jnp.pad(x, ((0, 0), (0, 0), (0, head)))
    return _build(batch, ut_len, head)(xp, idx)

# --- scband reference (transcript-rebuilt; emitter-appended) ---
"""Pipeline reference for scband-switch-reverse-triu-25288767439023 (READ-ONLY COPY).

The authoritative reference and input builder live on the scoring server;
editing this copy changes nothing except your own understanding.
"""

import jax, jax.numpy as jnp
import numpy as np

DIAGONAL_OFFSET = 2

def _rc_order(ut_len):
    seq_len = int(np.sqrt(2 * ut_len + 0.25) - 0.5) + DIAGONAL_OFFSET
    iu = np.triu_indices(seq_len, k=DIAGONAL_OFFSET)
    if len(iu[0]) != ut_len:
        raise ValueError(f'Failed to infer sequence length from upper triangular indices. Expected {ut_len} but got {len(iu[0])}.')
    mat_ut_indexes = np.zeros((seq_len, seq_len), dtype=np.int64)
    mat_ut_indexes[iu[0], iu[1]] = np.arange(ut_len, dtype=np.int64)
    mask_ut = np.zeros((seq_len, seq_len), dtype=bool)
    mask_ut[iu[0], iu[1]] = True
    mask_ld = ~mask_ut
    mat_indexes = mat_ut_indexes + mask_ld * mat_ut_indexes.T
    mat_rc_indexes = mat_indexes[::-1, ::-1]
    rc_ut_order = mat_rc_indexes[iu[0], iu[1]]
    return rc_ut_order.copy()

def setup_inputs(seed: int = 0):
    key = jax.random.key(seed)
    x = jax.random.normal(key, (4, 130305, 64), dtype=jnp.float32)
    return {"x": x, "reverse": 1}

def reference(x, reverse):
    batch_size, ut_len, head_num = x.shape
    rc_ut_order = jnp.asarray(_rc_order(ut_len))
    # torch gather with indices expanded over batch/head == take along axis 1
    out = jnp.take(x, rc_ut_order, axis=1)
    return jnp.where(jnp.asarray(reverse) != 0, out, x)

if __name__ == "__main__":
    import jax
    _d = setup_inputs()
    print(jax.jit(kernel)(*tuple(_d.values())))

</pallas_src>

<mosaic_0001>
#map = affine_map<(d0, d1) -> (0, 0, 0)>
module attributes {stable_mosaic.version = 14 : i64} {
  func.func @gather_kernel(%arg0: i32, %arg1: i32, %arg2: memref<4x130305x128xf32, #tpu.memory_space<hbm>>, %arg3: memref<2040x2x128xi32, #tpu.memory_space<hbm>>, %arg4: memref<4x130305x64xf32, #tpu.memory_space<hbm>>, %arg5: memref<2x128xi32, #tpu.memory_space<vmem>>, %arg6: memref<2x128xi32, #tpu.memory_space<vmem>>, %arg7: memref<256x128xf32, #tpu.memory_space<vmem>>, %arg8: memref<256x128xf32, #tpu.memory_space<vmem>>, %arg9: memref<256x64xf32, #tpu.memory_space<vmem>>, %arg10: memref<!tpu.dma_semaphore, #tpu.memory_space<semaphore_mem>>, %arg11: memref<!tpu.dma_semaphore, #tpu.memory_space<semaphore_mem>>) attributes {dimension_semantics = [#tpu.dimension_semantics<core_parallel>, #tpu.dimension_semantics<subcore_parallel>], iteration_bounds = array<i64: 2, 16>, scalar_prefetch = 0 : i64, scratch_operands = 7 : i64, tpu.core_type = #tpu.core_type<sc_vector_subcore>, window_params = [{transform_indices = #map}, {transform_indices = #map}, {transform_indices = #map}]} {
    %mul3A = arith.constant 2 : i32
    %mul3A_0 = arith.muli %arg1, %mul3A : i32
    %add3A = arith.addi %mul3A_0, %arg0 : i32
    %lt3A = arith.constant 2040 : i32
    %lt3A_1 = arith.cmpi slt, %add3A, %lt3A : i32
    %convert_element_type3A = arith.extui %lt3A_1 : i1 to i32
    %cond3A = arith.constant 0 : i32
    %cond3A_2 = arith.cmpi ne, %convert_element_type3A, %cond3A : i32
    scf.if %cond3A_2 {
      %jit3A = arith.constant 510 : i32
      %div3A = arith.divsi %add3A, %jit3A : i32
      %sign3A = arith.constant 0 : i32
      %sign3A_8 = arith.cmpi sgt, %add3A, %sign3A : i32
      %sign3A_9 = arith.extui %sign3A_8 : i1 to i32
      %sign3A_10 = arith.constant 0 : i32
      %sign3A_11 = arith.cmpi slt, %add3A, %sign3A_10 : i32
      %sign3A_12 = arith.extui %sign3A_11 : i1 to i32
      %sign3A_13 = arith.subi %sign3A_9, %sign3A_12 : i32
      %sign3A_14 = arith.constant 0 : i32
      %sign3A_15 = arith.cmpi sgt, %jit3A, %sign3A_14 : i32
      %sign3A_16 = arith.extui %sign3A_15 : i1 to i32
      %sign3A_17 = arith.constant 0 : i32
      %sign3A_18 = arith.cmpi slt, %jit3A, %sign3A_17 : i32
      %sign3A_19 = arith.extui %sign3A_18 : i1 to i32
      %sign3A_20 = arith.subi %sign3A_16, %sign3A_19 : i32
      %ne3A = arith.cmpi ne, %sign3A_13, %sign3A_20 : i32
      %rem3A = arith.remsi %add3A, %jit3A : i32
      %ne3A_21 = arith.constant 0 : i32
      %ne3A_22 = arith.cmpi ne, %rem3A, %ne3A_21 : i32
      %and3A = arith.andi %ne3A, %ne3A_22 : i1
      %sub3A = arith.constant 1 : i32
      %sub3A_23 = arith.subi %div3A, %sub3A : i32
      %select_n3A = arith.select %and3A, %sub3A_23, %div3A : i32
      "tpu.region"() ({
        %run_scoped3A = tpu.sem_alloc : memref<!tpu.dma_semaphore, #tpu.memory_space<semaphore_mem>>
        %dma_start3A_51 = arith.constant 0 : i32
        %dma_start3A_52 = arith.constant 0 : i32
        %dma_start3A_53 = tpu.memref_slice %arg3[%add3A, %dma_start3A_51, %dma_start3A_52] : memref<2040x2x128xi32, #tpu.memory_space<hbm>> -> memref<1x2x128xi32, #tpu.memory_space<hbm>>
        %dma_start3A_54 = tpu.memref_squeeze %dma_start3A_53 : memref<1x2x128xi32, #tpu.memory_space<hbm>> -> memref<2x128xi32, #tpu.memory_space<hbm>>
        %dma_start3A_55 = arith.constant 0 : i32
        %dma_start3A_56 = arith.constant 0 : i32
        %dma_start3A_57 = tpu.memref_slice %arg3[%add3A, %dma_start3A_55, %dma_start3A_56] : memref<2040x2x128xi32, #tpu.memory_space<hbm>> -> memref<1x2x128xi32, #tpu.memory_space<hbm>>
        %dma_start3A_58 = tpu.memref_squeeze %dma_start3A_57 : memref<1x2x128xi32, #tpu.memory_space<hbm>> -> memref<2x128xi32, #tpu.memory_space<hbm>>
        tpu.enqueue_dma source(%dma_start3A_58 : memref<2x128xi32, #tpu.memory_space<hbm>>) target(%arg5 : memref<2x128xi32, #tpu.memory_space<vmem>>) target_semaphore(%run_scoped3A : memref<!tpu.dma_semaphore, #tpu.memory_space<semaphore_mem>>)
        %dma_wait3A = arith.constant 0 : i32
        %dma_wait3A_59 = arith.constant 0 : i32
        %dma_wait3A_60 = tpu.memref_slice %arg3[%add3A, %dma_wait3A, %dma_wait3A_59] : memref<2040x2x128xi32, #tpu.memory_space<hbm>> -> memref<1x2x128xi32, #tpu.memory_space<hbm>>
        %dma_wait3A_61 = tpu.memref_squeeze %dma_wait3A_60 : memref<1x2x128xi32, #tpu.memory_space<hbm>> -> memref<2x128xi32, #tpu.memory_space<hbm>>
        %dma_wait3A_62 = arith.constant 0 : i32
        %dma_wait3A_63 = arith.constant 0 : i32
        %dma_wait3A_64 = tpu.memref_slice %arg3[%add3A, %dma_wait3A_62, %dma_wait3A_63] : memref<2040x2x128xi32, #tpu.memory_space<hbm>> -> memref<1x2x128xi32, #tpu.memory_space<hbm>>
        %dma_wait3A_65 = tpu.memref_squeeze %dma_wait3A_64 : memref<1x2x128xi32, #tpu.memory_space<hbm>> -> memref<2x128xi32, #tpu.memory_space<hbm>>
        tpu.wait_dma2 semaphore(%run_scoped3A : memref<!tpu.dma_semaphore, #tpu.memory_space<semaphore_mem>>) src(%dma_wait3A_65 : memref<2x128xi32, #tpu.memory_space<hbm>>) dst(%arg5 : memref<2x128xi32, #tpu.memory_space<vmem>>)
        tpu.yield
      }) : () -> ()
      %dma_start3A = arith.constant 0 : i32
      %dma_start3A_24 = arith.constant 0 : i32
      %dma_start3A_25 = arith.constant 0 : i32
      %dma_start3A_26 = tpu.memref_slice %arg7[%dma_start3A_24, %dma_start3A_25] : memref<256x128xf32, #tpu.memory_space<vmem>> -> memref<128x128xf32, #tpu.memory_space<vmem>>
      %dma_start3A_27 = arith.constant 0 : i32
      %dma_start3A_28 = tpu.memref_slice %arg5[%dma_start3A, %dma_start3A_27] : memref<2x128xi32, #tpu.memory_space<vmem>> -> memref<1x128xi32, #tpu.memory_space<vmem>>
      %dma_start3A_29 = tpu.memref_squeeze %dma_start3A_28 : memref<1x128xi32, #tpu.memory_space<vmem>> -> memref<128xi32, #tpu.memory_space<vmem>>
      %dma_start3A_30 = arith.constant 0 : i32
      %dma_start3A_31 = arith.constant 0 : i32
      %dma_start3A_32 = tpu.memref_slice %arg2[%select_n3A, %dma_start3A_30, %dma_start3A_31] : memref<4x130305x128xf32, #tpu.memory_space<hbm>> -> memref<1x130305x128xf32, #tpu.memory_space<hbm>>
      %dma_start3A_33 = tpu.memref_squeeze %dma_start3A_32 : memref<1x130305x128xf32, #tpu.memory_space<hbm>> -> memref<130305x128xf32, #tpu.memory_space<hbm>>
      %dma_start3A_34 = arith.constant 0 : i32
      %dma_start3A_35 = arith.constant 0 : i32
      %dma_start3A_36 = tpu.memref_slice %dma_start3A_33[%dma_start3A_34, %dma_start3A_35] : memref<130305x128xf32, #tpu.memory_space<hbm>> -> memref<130305x128xf32, #tpu.memory_space<hbm>>
      tpu.enqueue_indirect_dma source(%dma_start3A_36 : memref<130305x128xf32, #tpu.memory_space<hbm>>) target(%dma_start3A_26 : memref<128x128xf32, #tpu.memory_space<vmem>>) offsets(%dma_start3A_29 : memref<128xi32, #tpu.memory_space<vmem>>) semaphore(%arg10 : memref<!tpu.dma_semaphore, #tpu.memory_space<semaphore_mem>>)
      %dma_start3A_37 = arith.constant 1 : i32
      %dma_start3A_38 = arith.constant 128 : i32
      %dma_start3A_39 = arith.constant 0 : i32
      %dma_start3A_40 = tpu.memref_slice %arg7[%dma_start3A_38, %dma_start3A_39] : memref<256x128xf32, #tpu.memory_space<vmem>> -> memref<128x128xf32, #tpu.memory_space<vmem>>
      %dma_start3A_41 = arith.constant 0 : i32
      %dma_start3A_42 = tpu.memref_slice %arg5[%dma_start3A_37, %dma_start3A_41] : memref<2x128xi32, #tpu.memory_space<vmem>> -> memref<1x128xi32, #tpu.memory_space<vmem>>
      %dma_start3A_43 = tpu.memref_squeeze %dma_start3A_42 : memref<1x128xi32, #tpu.memory_space<vmem>> -> memref<128xi32, #tpu.memory_space<vmem>>
      %dma_start3A_44 = arith.constant 0 : i32
      %dma_start3A_45 = arith.constant 0 : i32
      %dma_start3A_46 = tpu.memref_slice %arg2[%select_n3A, %dma_start3A_44, %dma_start3A_45] : memref<4x130305x128xf32, #tpu.memory_space<hbm>> -> memref<1x130305x128xf32, #tpu.memory_space<hbm>>
      %dma_start3A_47 = tpu.memref_squeeze %dma_start3A_46 : memref<1x130305x128xf32, #tpu.memory_space<hbm>> -> memref<130305x128xf32, #tpu.memory_space<hbm>>
      %dma_start3A_48 = arith.constant 0 : i32
      %dma_start3A_49 = arith.constant 0 : i32
      %dma_start3A_50 = tpu.memref_slice %dma_start3A_47[%dma_start3A_48, %dma_start3A_49] : memref<130305x128xf32, #tpu.memory_space<hbm>> -> memref<130305x128xf32, #tpu.memory_space<hbm>>
      tpu.enqueue_indirect_dma source(%dma_start3A_50 : memref<130305x128xf32, #tpu.memory_space<hbm>>) target(%dma_start3A_40 : memref<128x128xf32, #tpu.memory_space<vmem>>) offsets(%dma_start3A_43 : memref<128xi32, #tpu.memory_space<vmem>>) semaphore(%arg10 : memref<!tpu.dma_semaphore, #tpu.memory_space<semaphore_mem>>)
    } else {
    }
    %scan3A = arith.constant 0 : i32
    %scan3A_3 = arith.constant 0 : i32
    %scan3A_4 = arith.constant 32 : i32
    %scan3A_5 = arith.addi %scan3A_3, %scan3A_4 : i32
    %scan3A_6 = arith.constant 1 : i32
    scf.for %scan3A_8 = %scan3A_3 to %scan3A_5 step %scan3A_6  : i32 {
      %mul3A_9 = arith.constant 2 : i32
      %mul3A_10 = arith.muli %mul3A_9, %scan3A_8 : i32
      %mul3A_11 = arith.constant 32 : i32
      %mul3A_12 = arith.muli %mul3A_10, %mul3A_11 : i32
      %add3A_13 = arith.addi %mul3A_12, %add3A : i32
      %add3A_14 = arith.constant 32 : i32
      %add3A_15 = arith.addi %add3A_13, %add3A_14 : i32
      %lt3A_16 = arith.constant 2040 : i32
      %lt3A_17 = arith.cmpi slt, %add3A_15, %lt3A_16 : i32
      %convert_element_type3A_18 = arith.extui %lt3A_17 : i1 to i32
      %cond3A_19 = arith.constant 0 : i32
      %cond3A_20 = arith.cmpi ne, %convert_element_type3A_18, %cond3A_19 : i32
      scf.if %cond3A_20 {
        %jit3A = arith.constant 510 : i32
        %div3A = arith.divsi %add3A_15, %jit3A : i32
        %sign3A = arith.constant 0 : i32
        %sign3A_40 = arith.cmpi sgt, %add3A_15, %sign3A : i32
        %sign3A_41 = arith.extui %sign3A_40 : i1 to i32
        %sign3A_42 = arith.constant 0 : i32
        %sign3A_43 = arith.cmpi slt, %add3A_15, %sign3A_42 : i32
        %sign3A_44 = arith.extui %sign3A_43 : i1 to i32
        %sign3A_45 = arith.subi %sign3A_41, %sign3A_44 : i32
        %sign3A_46 = arith.constant 0 : i32
        %sign3A_47 = arith.cmpi sgt, %jit3A, %sign3A_46 : i32
        %sign3A_48 = arith.extui %sign3A_47 : i1 to i32
        %sign3A_49 = arith.constant 0 : i32
        %sign3A_50 = arith.cmpi slt, %jit3A, %sign3A_49 : i32
        %sign3A_51 = arith.extui %sign3A_50 : i1 to i32
        %sign3A_52 = arith.subi %sign3A_48, %sign3A_51 : i32
        %ne3A = arith.cmpi ne, %sign3A_45, %sign3A_52 : i32
        %rem3A = arith.remsi %add3A_15, %jit3A : i32
        %ne3A_53 = arith.constant 0 : i32
        %ne3A_54 = arith.cmpi ne, %rem3A, %ne3A_53 : i32
        %and3A = arith.andi %ne3A, %ne3A_54 : i1
        %sub3A = arith.constant 1 : i32
        %sub3A_55 = arith.subi %div3A, %sub3A : i32
        %select_n3A = arith.select %and3A, %sub3A_55, %div3A : i32
        "tpu.region"() ({
          %run_scoped3A = tpu.sem_alloc : memref<!tpu.dma_semaphore, #tpu.memory_space<semaphore_mem>>
          %dma_start3A_83 = arith.constant 0 : i32
          %dma_start3A_84 = arith.constant 0 : i32
          %dma_start3A_85 = tpu.memref_slice %arg3[%add3A_15, %dma_start3A_83, %dma_start3A_84] : memref<2040x2x128xi32, #tpu.memory_space<hbm>> -> memref<1x2x128xi32, #tpu.memory_space<hbm>>
          %dma_start3A_86 = tpu.memref_squeeze %dma_start3A_85 : memref<1x2x128xi32, #tpu.memory_space<hbm>> -> memref<2x128xi32, #tpu.memory_space<hbm>>
          %dma_start3A_87 = arith.constant 0 : i32
          %dma_start3A_88 = arith.constant 0 : i32
          %dma_start3A_89 = tpu.memref_slice %arg3[%add3A_15, %dma_start3A_87, %dma_start3A_88] : memref<2040x2x128xi32, #tpu.memory_space<hbm>> -> memref<1x2x128xi32, #tpu.memory_space<hbm>>
          %dma_start3A_90 = tpu.memref_squeeze %dma_start3A_89 : memref<1x2x128xi32, #tpu.memory_space<hbm>> -> memref<2x128xi32, #tpu.memory_space<hbm>>
          tpu.enqueue_dma source(%dma_start3A_90 : memref<2x128xi32, #tpu.memory_space<hbm>>) target(%arg6 : memref<2x128xi32, #tpu.memory_space<vmem>>) target_semaphore(%run_scoped3A : memref<!tpu.dma_semaphore, #tpu.memory_space<semaphore_mem>>)
          %dma_wait3A = arith.constant 0 : i32
          %dma_wait3A_91 = arith.constant 0 : i32
          %dma_wait3A_92 = tpu.memref_slice %arg3[%add3A_15, %dma_wait3A, %dma_wait3A_91] : memref<2040x2x128xi32, #tpu.memory_space<hbm>> -> memref<1x2x128xi32, #tpu.memory_space<hbm>>
          %dma_wait3A_93 = tpu.memref_squeeze %dma_wait3A_92 : memref<1x2x128xi32, #tpu.memory_space<hbm>> -> memref<2x128xi32, #tpu.memory_space<hbm>>
          %dma_wait3A_94 = arith.constant 0 : i32
          %dma_wait3A_95 = arith.constant 0 : i32
          %dma_wait3A_96 = tpu.memref_slice %arg3[%add3A_15, %dma_wait3A_94, %dma_wait3A_95] : memref<2040x2x128xi32, #tpu.memory_space<hbm>> -> memref<1x2x128xi32, #tpu.memory_space<hbm>>
          %dma_wait3A_97 = tpu.memref_squeeze %dma_wait3A_96 : memref<1x2x128xi32, #tpu.memory_space<hbm>> -> memref<2x128xi32, #tpu.memory_space<hbm>>
          tpu.wait_dma2 semaphore(%run_scoped3A : memref<!tpu.dma_semaphore, #tpu.memory_space<semaphore_mem>>) src(%dma_wait3A_97 : memref<2x128xi32, #tpu.memory_space<hbm>>) dst(%arg6 : memref<2x128xi32, #tpu.memory_space<vmem>>)
          tpu.yield
        }) : () -> ()
        %dma_start3A = arith.constant 0 : i32
        %dma_start3A_56 = arith.constant 0 : i32
        %dma_start3A_57 = arith.constant 0 : i32
        %dma_start3A_58 = tpu.memref_slice %arg8[%dma_start3A_56, %dma_start3A_57] : memref<256x128xf32, #tpu.memory_space<vmem>> -> memref<128x128xf32, #tpu.memory_space<vmem>>
        %dma_start3A_59 = arith.constant 0 : i32
        %dma_start3A_60 = tpu.memref_slice %arg6[%dma_start3A, %dma_start3A_59] : memref<2x128xi32, #tpu.memory_space<vmem>> -> memref<1x128xi32, #tpu.memory_space<vmem>>
        %dma_start3A_61 = tpu.memref_squeeze %dma_start3A_60 : memref<1x128xi32, #tpu.memory_space<vmem>> -> memref<128xi32, #tpu.memory_space<vmem>>
        %dma_start3A_62 = arith.constant 0 : i32
        %dma_start3A_63 = arith.constant 0 : i32
        %dma_start3A_64 = tpu.memref_slice %arg2[%select_n3A, %dma_start3A_62, %dma_start3A_63] : memref<4x130305x128xf32, #tpu.memory_space<hbm>> -> memref<1x130305x128xf32, #tpu.memory_space<hbm>>
        %dma_start3A_65 = tpu.memref_squeeze %dma_start3A_64 : memref<1x130305x128xf32, #tpu.memory_space<hbm>> -> memref<130305x128xf32, #tpu.memory_space<hbm>>
        %dma_start3A_66 = arith.constant 0 : i32
        %dma_start3A_67 = arith.constant 0 : i32
        %dma_start3A_68 = tpu.memref_slice %dma_start3A_65[%dma_start3A_66, %dma_start3A_67] : memref<130305x128xf32, #tpu.memory_space<hbm>> -> memref<130305x128xf32, #tpu.memory_space<hbm>>
        tpu.enqueue_indirect_dma source(%dma_start3A_68 : memref<130305x128xf32, #tpu.memory_space<hbm>>) target(%dma_start3A_58 : memref<128x128xf32, #tpu.memory_space<vmem>>) offsets(%dma_start3A_61 : memref<128xi32, #tpu.memory_space<vmem>>) semaphore(%arg11 : memref<!tpu.dma_semaphore, #tpu.memory_space<semaphore_mem>>)
        %dma_start3A_69 = arith.constant 1 : i32
        %dma_start3A_70 = arith.constant 128 : i32
        %dma_start3A_71 = arith.constant 0 : i32
        %dma_start3A_72 = tpu.memref_slice %arg8[%dma_start3A_70, %dma_start3A_71] : memref<256x128xf32, #tpu.memory_space<vmem>> -> memref<128x128xf32, #tpu.memory_space<vmem>>
        %dma_start3A_73 = arith.constant 0 : i32
        %dma_start3A_74 = tpu.memref_slice %arg6[%dma_start3A_69, %dma_start3A_73] : memref<2x128xi32, #tpu.memory_space<vmem>> -> memref<1x128xi32, #tpu.memory_space<vmem>>
        %dma_start3A_75 = tpu.memref_squeeze %dma_start3A_74 : memref<1x128xi32, #tpu.memory_space<vmem>> -> memref<128xi32, #tpu.memory_space<vmem>>
        %dma_start3A_76 = arith.constant 0 : i32
        %dma_start3A_77 = arith.constant 0 : i32
        %dma_start3A_78 = tpu.memref_slice %arg2[%select_n3A, %dma_start3A_76, %dma_start3A_77] : memref<4x130305x128xf32, #tpu.memory_space<hbm>> -> memref<1x130305x128xf32, #tpu.memory_space<hbm>>
        %dma_start3A_79 = tpu.memref_squeeze %dma_start3A_78 : memref<1x130305x128xf32, #tpu.memory_space<hbm>> -> memref<130305x128xf32, #tpu.memory_space<hbm>>
        %dma_start3A_80 = arith.constant 0 : i32
        %dma_start3A_81 = arith.constant 0 : i32
        %dma_start3A_82 = tpu.memref_slice %dma_start3A_79[%dma_start3A_80, %dma_start3A_81] : memref<130305x128xf32, #tpu.memory_space<hbm>> -> memref<130305x128xf32, #tpu.memory_space<hbm>>
        tpu.enqueue_indirect_dma source(%dma_start3A_82 : memref<130305x128xf32, #tpu.memory_space<hbm>>) target(%dma_start3A_72 : memref<128x128xf32, #tpu.memory_space<vmem>>) offsets(%dma_start3A_75 : memref<128xi32, #tpu.memory_space<vmem>>) semaphore(%arg11 : memref<!tpu.dma_semaphore, #tpu.memory_space<semaphore_mem>>)
      } else {
      }
      %lt3A_21 = arith.constant 2040 : i32
      %lt3A_22 = arith.cmpi slt, %add3A_13, %lt3A_21 : i32
      %convert_element_type3A_23 = arith.extui %lt3A_22 : i1 to i32
      %cond3A_24 = arith.constant 0 : i32
      %cond3A_25 = arith.cmpi ne, %convert_element_type3A_23, %cond3A_24 : i32
      scf.if %cond3A_25 {
        %dma_wait3A = arith.constant 0 : i32
        %dma_wait3A_40 = arith.constant 0 : i32
        %dma_wait3A_41 = arith.constant 0 : i32
        %dma_wait3A_42 = tpu.memref_slice %arg2[%dma_wait3A, %dma_wait3A_40, %dma_wait3A_41] : memref<4x130305x128xf32, #tpu.memory_space<hbm>> -> memref<1x256x128xf32, #tpu.memory_space<hbm>>
        %dma_wait3A_43 = tpu.memref_squeeze %dma_wait3A_42 : memref<1x256x128xf32, #tpu.memory_space<hbm>> -> memref<256x128xf32, #tpu.memory_space<hbm>>
        %dma_wait3A_44 = arith.constant 0 : i32
        %dma_wait3A_45 = arith.constant 0 : i32
        %dma_wait3A_46 = tpu.memref_slice %arg2[%dma_wait3A, %dma_wait3A_44, %dma_wait3A_45] : memref<4x130305x128xf32, #tpu.memory_space<hbm>> -> memref<1x256x128xf32, #tpu.memory_space<hbm>>
        %dma_wait3A_47 = tpu.memref_squeeze %dma_wait3A_46 : memref<1x256x128xf32, #tpu.memory_space<hbm>> -> memref<256x128xf32, #tpu.memory_space<hbm>>
        tpu.wait_dma2 semaphore(%arg10 : memref<!tpu.dma_semaphore, #tpu.memory_space<semaphore_mem>>) src(%dma_wait3A_47 : memref<256x128xf32, #tpu.memory_space<hbm>>) dst(%arg7 : memref<256x128xf32, #tpu.memory_space<vmem>>)
        %scan3A_48 = arith.constant 0 : i32
        %scan3A_49 = arith.constant 0 : i32
        %scan3A_50 = arith.constant 64 : i32
        %scan3A_51 = arith.addi %scan3A_49, %scan3A_50 : i32
        %scan3A_52 = arith.constant 1 : i32
        scf.for %scan3A_84 = %scan3A_49 to %scan3A_51 step %scan3A_52  : i32 {
          %mul3A_85 = arith.constant 4 : i32
          %mul3A_86 = arith.muli %scan3A_84, %mul3A_85 : i32
          %add3A_87 = arith.constant 0 : i32
          %add3A_88 = arith.addi %mul3A_86, %add3A_87 : i32
          %get3A = arith.index_cast %add3A_88 : i32 to index
          %get3A_89 = arith.constant 0 : index
          %get3A_90 = tpu.vector_load %arg7[%get3A, %get3A_89] {strides = array<i32>} : memref<256x128xf32, #tpu.memory_space<vmem>>, vector<1x16xf32>,
          %get3A_91 = vector.shape_cast %get3A_90 : vector<1x16xf32> to vector<16xf32>
          %mul3A_92 = arith.constant 4 : i32
          %mul3A_93 = arith.muli %scan3A_84, %mul3A_92 : i32
          %add3A_94 = arith.constant 0 : i32
          %add3A_95 = arith.addi %mul3A_93, %add3A_94 : i32
          %swap3A = arith.index_cast %add3A_95 : i32 to index
          %swap3A_96 = arith.constant 0 : index
          %swap3A_97 = tpu.vector_load %arg9[%swap3A, %swap3A_96] {strides = array<i32>} : memref<256x64xf32, #tpu.memory_space<vmem>>, vector<1x16xf32>,
          %swap3A_98 = vector.shape_cast %swap3A_97 : vector<1x16xf32> to vector<16xf32>
          %swap3A_99 = vector.shape_cast %get3A_91 : vector<16xf32> to vector<1x16xf32>
          tpu.vector_store %arg9[%swap3A, %swap3A_96], %swap3A_99 {strides = array<i32>} : memref<256x64xf32, #tpu.memory_space<vmem>>, vector<1x16xf32>,
          %mul3A_100 = arith.constant 4 : i32
          %mul3A_101 = arith.muli %scan3A_84, %mul3A_100 : i32
          %add3A_102 = arith.constant 0 : i32
          %add3A_103 = arith.addi %mul3A_101, %add3A_102 : i32
          %get3A_104 = arith.index_cast %add3A_103 : i32 to index
          %get3A_105 = arith.constant 16 : index
          %get3A_106 = tpu.vector_load %arg7[%get3A_104, %get3A_105] {strides = array<i32>} : memref<256x128xf32, #tpu.memory_space<vmem>>, vector<1x16xf32>,
          %get3A_107 = vector.shape_cast %get3A_106 : vector<1x16xf32> to vector<16xf32>
          %mul3A_108 = arith.constant 4 : i32
          %mul3A_109 = arith.muli %scan3A_84, %mul3A_108 : i32
          %add3A_110 = arith.constant 0 : i32
          %add3A_111 = arith.addi %mul3A_109, %add3A_110 : i32
          %swap3A_112 = arith.index_cast %add3A_111 : i32 to index
          %swap3A_113 = arith.constant 16 : index
          %swap3A_114 = tpu.vector_load %arg9[%swap3A_112, %swap3A_113] {strides = array<i32>} : memref<256x64xf32, #tpu.memory_space<vmem>>, vector<1x16xf32>,
          %swap3A_115 = vector.shape_cast %swap3A_114 : vector<1x16xf32> to vector<16xf32>
          %swap3A_116 = vector.shape_cast %get3A_107 : vector<16xf32> to vector<1x16xf32>
          tpu.vector_store %arg9[%swap3A_112, %swap3A_113], %swap3A_116 {strides = array<i32>} : memref<256x64xf32, #tpu.memory_space<vmem>>, vector<1x16xf32>,
          %mul3A_117 = arith.constant 4 : i32
          %mul3A_118 = arith.muli %scan3A_84, %mul3A_117 : i32
          %add3A_119 = arith.constant 0 : i32
          %add3A_120 = arith.addi %mul3A_118, %add3A_119 : i32
          %get3A_121 = arith.index_cast %add3A_120 : i32 to index
          %get3A_122 = arith.constant 32 : index
          %get3A_123 = tpu.vector_load %arg7[%get3A_121, %get3A_122] {strides = array<i32>} : memref<256x128xf32, #tpu.memory_space<vmem>>, vector<1x16xf32>,
          %get3A_124 = vector.shape_cast %get3A_123 : vector<1x16xf32> to vector<16xf32>
          %mul3A_125 = arith.constant 4 : i32
          %mul3A_126 = arith.muli %scan3A_84, %mul3A_125 : i32
          %add3A_127 = arith.constant 0 : i32
          %add3A_128 = arith.addi %mul3A_126, %add3A_127 : i32
          %swap3A_129 = arith.index_cast %add3A_128 : i32 to index
          %swap3A_130 = arith.constant 32 : index
          %swap3A_131 = tpu.vector_load %arg9[%swap3A_129, %swap3A_130] {strides = array<i32>} : memref<256x64xf32, #tpu.memory_space<vmem>>, vector<1x16xf32>,
          %swap3A_132 = vector.shape_cast %swap3A_131 : vector<1x16xf32> to vector<16xf32>
          %swap3A_133 = vector.shape_cast %get3A_124 : vector<16xf32> to vector<1x16xf32>
          tpu.vector_store %arg9[%swap3A_129, %swap3A_130], %swap3A_133 {strides = array<i32>} : memref<256x64xf32, #tpu.memory_space<vmem>>, vector<1x16xf32>,
          %mul3A_134 = arith.constant 4 : i32
          %mul3A_135 = arith.muli %scan3A_84, %mul3A_134 : i32
          %add3A_136 = arith.constant 0 : i32
          %add3A_137 = arith.addi %mul3A_135, %add3A_136 : i32
          %get3A_138 = arith.index_cast %add3A_137 : i32 to index
          %get3A_139 = arith.constant 48 : index
          %get3A_140 = tpu.vector_load %arg7[%get3A_138, %get3A_139] {strides = array<i32>} : memref<256x128xf32, #tpu.memory_space<vmem>>, vector<1x16xf32>,
          %get3A_141 = vector.shape_cast %get3A_140 : vector<1x16xf32> to vector<16xf32>
          %mul3A_142 = arith.constant 4 : i32
          %mul3A_143 = arith.muli %scan3A_84, %mul3A_142 : i32
          %add3A_144 = arith.constant 0 : i32
          %add3A_145 = arith.addi %mul3A_143, %add3A_144 : i32
          %swap3A_146 = arith.index_cast %add3A_145 : i32 to index
          %swap3A_147 = arith.constant 48 : index
          %swap3A_148 = tpu.vector_load %arg9[%swap3A_146, %swap3A_147] {strides = array<i32>} : memref<256x64xf32, #tpu.memory_space<vmem>>, vector<1x16xf32>,
          %swap3A_149 = vector.shape_cast %swap3A_148 : vector<1x16xf32> to vector<16xf32>
          %swap3A_150 = vector.shape_cast %get3A_141 : vector<16xf32> to vector<1x16xf32>
          tpu.vector_store %arg9[%swap3A_146, %swap3A_147], %swap3A_150 {strides = array<i32>} : memref<256x64xf32, #tpu.memory_space<vmem>>, vector<1x16xf32>,
          %mul3A_151 = arith.constant 4 : i32
          %mul3A_152 = arith.muli %scan3A_84, %mul3A_151 : i32
          %add3A_153 = arith.constant 1 : i32
          %add3A_154 = arith.addi %mul3A_152, %add3A_153 : i32
          %get3A_155 = arith.index_cast %add3A_154 : i32 to index
          %get3A_156 = arith.constant 0 : index
          %get3A_157 = tpu.vector_load %arg7[%get3A_155, %get3A_156] {strides = array<i32>} : memref<256x128xf32, #tpu.memory_space<vmem>>, vector<1x16xf32>,
          %get3A_158 = vector.shape_cast %get3A_157 : vector<1x16xf32> to vector<16xf32>
          %mul3A_159 = arith.constant 4 : i32
          %mul3A_160 = arith.muli %scan3A_84, %mul3A_159 : i32
          %add3A_161 = arith.constant 1 : i32
          %add3A_162 = arith.addi %mul3A_160, %add3A_161 : i32
          %swap3A_163 = arith.index_cast %add3A_162 : i32 to index
          %swap3A_164 = arith.constant 0 : index
          %swap3A_165 = tpu.vector_load %arg9[%swap3A_163, %swap3A_164] {strides = array<i32>} : memref<256x64xf32, #tpu.memory_space<vmem>>, vector<1x16xf32>,
          %swap3A_166 = vector.shape_cast %swap3A_165 : vector<1x16xf32> to vector<16xf32>
          %swap3A_167 = vector.shape_cast %get3A_158 : vector<16xf32> to vector<1x16xf32>
          tpu.vector_store %arg9[%swap3A_163, %swap3A_164], %swap3A_167 {strides = array<i32>} : memref<256x64xf32, #tpu.memory_space<vmem>>, vector<1x16xf32>,
          %mul3A_168 = arith.constant 4 : i32
          %mul3A_169 = arith.muli %scan3A_84, %mul3A_168 : i32
          %add3A_170 = arith.constant 1 : i32
          %add3A_171 = arith.addi %mul3A_169, %add3A_170 : i32
          %get3A_172 = arith.index_cast %add3A_171 : i32 to index
          %get3A_173 = arith.constant 16 : index
          %get3A_174 = tpu.vector_load %arg7[%get3A_172, %get3A_173] {strides = array<i32>} : memref<256x128xf32, #tpu.memory_space<vmem>>, vector<1x16xf32>,
          %get3A_175 = vector.shape_cast %get3A_174 : vector<1x16xf32> to vector<16xf32>
          %mul3A_176 = arith.constant 4 : i32
          %mul3A_177 = arith.muli %scan3A_84, %mul3A_176 : i32
          %add3A_178 = arith.constant 1 : i32
          %add3A_179 = arith.addi %mul3A_177, %add3A_178 : i32
          %swap3A_180 = arith.index_cast %add3A_179 : i32 to index
          %swap3A_181 = arith.constant 16 : index
          %swap3A_182 = tpu.vector_load %arg9[%swap3A_180, %swap3A_181] {strides = array<i32>} : memref<256x64xf32, #tpu.memory_space<vmem>>, vector<1x16xf32>,
          %swap3A_183 = vector.shape_cast %swap3A_182 : vector<1x16xf32> to vector<16xf32>
          %swap3A_184 = vector.shape_cast %get3A_175 : vector<16xf32> to vector<1x16xf32>
          tpu.vector_store %arg9[%swap3A_180, %swap3A_181], %swap3A_184 {strides = array<i32>} : memref<256x64xf32, #tpu.memory_space<vmem>>, vector<1x16xf32>,
          %mul3A_185 = arith.constant 4 : i32
          %mul3A_186 = arith.muli %scan3A_84, %mul3A_185 : i32
          %add3A_187 = arith.constant 1 : i32
          %add3A_188 = arith.addi %mul3A_186, %add3A_187 : i32
          %get3A_189 = arith.index_cast %add3A_188 : i32 to index
          %get3A_190 = arith.constant 32 : index
          %get3A_191 = tpu.vector_load %arg7[%get3A_189, %get3A_190] {strides = array<i32>} : memref<256x128xf32, #tpu.memory_space<vmem>>, vector<1x16xf32>,
          %get3A_192 = vector.shape_cast %get3A_191 : vector<1x16xf32> to vector<16xf32>
          %mul3A_193 = arith.constant 4 : i32
          %mul3A_194 = arith.muli %scan3A_84, %mul3A_193 : i32
          %add3A_195 = arith.constant 1 : i32
          %add3A_196 = arith.addi %mul3A_194, %add3A_195 : i32
          %swap3A_197 = arith.index_cast %add3A_196 : i32 to index
          %swap3A_198 = arith.constant 32 : index
          %swap3A_199 = tpu.vector_load %arg9[%swap3A_197, %swap3A_198] {strides = array<i32>} : memref<256x64xf32, #tpu.memory_space<vmem>>, vector<1x16xf32>,
          %swap3A_200 = vector.shape_cast %swap3A_199 : vector<1x16xf32> to vector<16xf32>
          %swap3A_201 = vector.shape_cast %get3A_192 : vector<16xf32> to vector<1x16xf32>
          tpu.vector_store %arg9[%swap3A_197, %swap3A_198], %swap3A_201 {strides = array<i32>} : memref<256x64xf32, #tpu.memory_space<vmem>>, vector<1x16xf32>,
          %mul3A_202 = arith.constant 4 : i32
          %mul3A_203 = arith.muli %scan3A_84, %mul3A_202 : i32
          %add3A_204 = arith.constant 1 : i32
          %add3A_205 = arith.addi %mul3A_203, %add3A_204 : i32
          %get3A_206 = arith.index_cast %add3A_205 : i32 to index
          %get3A_207 = arith.constant 48 : index
          %get3A_208 = tpu.vector_load %arg7[%get3A_206, %get3A_207] {strides = array<i32>} : memref<256x128xf32, #tpu.memory_space<vmem>>, vector<1x16xf32>,
          %get3A_209 = vector.shape_cast %get3A_208 : vector<1x16xf32> to vector<16xf32>
          %mul3A_210 = arith.constant 4 : i32
          %mul3A_211 = arith.muli %scan3A_84, %mul3A_210 : i32
          %add3A_212 = arith.constant 1 : i32
          %add3A_213 = arith.addi %mul3A_211, %add3A_212 : i32
          %swap3A_214 = arith.index_cast %add3A_213 : i32 to index
          %swap3A_215 = arith.constant 48 : index
          %swap3A_216 = tpu.vector_load %arg9[%swap3A_214, %swap3A_215] {strides = array<i32>} : memref<256x64xf32, #tpu.memory_space<vmem>>, vector<1x16xf32>,
          %swap3A_217 = vector.shape_cast %swap3A_216 : vector<1x16xf32> to vector<16xf32>
          %swap3A_218 = vector.shape_cast %get3A_209 : vector<16xf32> to vector<1x16xf32>
          tpu.vector_store %arg9[%swap3A_214, %swap3A_215], %swap3A_218 {strides = array<i32>} : memref<256x64xf32, #tpu.memory_space<vmem>>, vector<1x16xf32>,
          %mul3A_219 = arith.constant 4 : i32
          %mul3A_220 = arith.muli %scan3A_84, %mul3A_219 : i32
          %add3A_221 = arith.constant 2 : i32
          %add3A_222 = arith.addi %mul3A_220, %add3A_221 : i32
          %get3A_223 = arith.index_cast %add3A_222 : i32 to index
          %get3A_224 = arith.constant 0 : index
          %get3A_225 = tpu.vector_load %arg7[%get3A_223, %get3A_224] {strides = array<i32>} : memref<256x128xf32, #tpu.memory_space<vmem>>, vector<1x16xf32>,
          %get3A_226 = vector.shape_cast %get3A_225 : vector<1x16xf32> to vector<16xf32>
          %mul3A_227 = arith.constant 4 : i32
          %mul3A_228 = arith.muli %scan3A_84, %mul3A_227 : i32
          %add3A_229 = arith.constant 2 : i32
          %add3A_230 = arith.addi %mul3A_228, %add3A_229 : i32
          %swap3A_231 = arith.index_cast %add3A_230 : i32 to index
          %swap3A_232 = arith.constant 0 : index
          %swap3A_233 = tpu.vector_load %arg9[%swap3A_231, %swap3A_232] {strides = array<i32>} : memref<256x64xf32, #tpu.memory_space<vmem>>, vector<1x16xf32>,
          %swap3A_234 = vector.shape_cast %swap3A_233 : vector<1x16xf32> to vector<16xf32>
          %swap3A_235 = vector.shape_cast %get3A_226 : vector<16xf32> to vector<1x16xf32>
          tpu.vector_store %arg9[%swap3A_231, %swap3A_232], %swap3A_235 {strides = array<i32>} : memref<256x64xf32, #tpu.memory_space<vmem>>, vector<1x16xf32>,
          %mul3A_236 = arith.constant 4 : i32
          %mul3A_237 = arith.muli %scan3A_84, %mul3A_236 : i32
          %add3A_238 = arith.constant 2 : i32
          %add3A_239 = arith.addi %mul3A_237, %add3A_238 : i32
          %get3A_240 = arith.index_cast %add3A_239 : i32 to index
          %get3A_241 = arith.constant 16 : index
          %get3A_242 = tpu.vector_load %arg7[%get3A_240, %get3A_241] {strides = array<i32>} : memref<256x128xf32, #tpu.memory_space<vmem>>, vector<1x16xf32>,
          %get3A_243 = vector.shape_cast %get3A_242 : vector<1x16xf32> to vector<16xf32>
          %mul3A_244 = arith.constant 4 : i32
          %mul3A_245 = arith.muli %scan3A_84, %mul3A_244 : i32
          %add3A_246 = arith.constant 2 : i32
          %add3A_247 = arith.addi %mul3A_245, %add3A_246 : i32
          %swap3A_248 = arith.index_cast %add3A_247 : i32 to index
          %swap3A_249 = arith.constant 16 : index
          %swap3A_250 = tpu.vector_load %arg9[%swap3A_248, %swap3A_249] {strides = array<i32>} : memref<256x64xf32, #tpu.memory_space<vmem>>, vector<1x16xf32>,
          %swap3A_251 = vector.shape_cast %swap3A_250 : vector<1x16xf32> to vector<16xf32>
          %swap3A_252 = vector.shape_cast %get3A_243 : vector<16xf32> to vector<1x16xf32>
          tpu.vector_store %arg9[%swap3A_248, %swap3A_249], %swap3A_252 {strides = array<i32>} : memref<256x64xf32, #tpu.memory_space<vmem>>, vector<1x16xf32>,
          %mul3A_253 = arith.constant 4 : i32
          %mul3A_254 = arith.muli %scan3A_84, %mul3A_253 : i32
          %add3A_255 = arith.constant 2 : i32
          %add3A_256 = arith.addi %mul3A_254, %add3A_255 : i32
          %get3A_257 = arith.index_cast %add3A_256 : i32 to index
          %get3A_258 = arith.constant 32 : index
          %get3A_259 = tpu.vector_load %arg7[%get3A_257, %get3A_258] {strides = array<i32>} : memref<256x128xf32, #tpu.memory_space<vmem>>, vector<1x16xf32>,
          %get3A_260 = vector.shape_cast %get3A_259 : vector<1x16xf32> to vector<16xf32>
          %mul3A_261 = arith.constant 4 : i32
          %mul3A_262 = arith.muli %scan3A_84, %mul3A_261 : i32
          %add3A_263 = arith.constant 2 : i32
          %add3A_264 = arith.addi %mul3A_262, %add3A_263 : i32
          %swap3A_265 = arith.index_cast %add3A_264 : i32 to index
          %swap3A_266 = arith.constant 32 : index
          %swap3A_267 = tpu.vector_load %arg9[%swap3A_265, %swap3A_266] {strides = array<i32>} : memref<256x64xf32, #tpu.memory_space<vmem>>, vector<1x16xf32>,
          %swap3A_268 = vector.shape_cast %swap3A_267 : vector<1x16xf32> to vector<16xf32>
          %swap3A_269 = vector.shape_cast %get3A_260 : vector<16xf32> to vector<1x16xf32>
          tpu.vector_store %arg9[%swap3A_265, %swap3A_266], %swap3A_269 {strides = array<i32>} : memref<256x64xf32, #tpu.memory_space<vmem>>, vector<1x16xf32>,
          %mul3A_270 = arith.constant 4 : i32
          %mul3A_271 = arith.muli %scan3A_84, %mul3A_270 : i32
          %add3A_272 = arith.constant 2 : i32
          %add3A_273 = arith.addi %mul3A_271, %add3A_272 : i32
          %get3A_274 = arith.index_cast %add3A_273 : i32 to index
          %get3A_275 = arith.constant 48 : index
          %get3A_276 = tpu.vector_load %arg7[%get3A_274, %get3A_275] {strides = array<i32>} : memref<256x128xf32, #tpu.memory_space<vmem>>, vector<1x16xf32>,
          %get3A_277 = vector.shape_cast %get3A_276 : vector<1x16xf32> to vector<16xf32>
          %mul3A_278 = arith.constant 4 : i32
          %mul3A_279 = arith.muli %scan3A_84, %mul3A_278 : i32
          %add3A_280 = arith.constant 2 : i32
          %add3A_281 = arith.addi %mul3A_279, %add3A_280 : i32
          %swap3A_282 = arith.index_cast %add3A_281 : i32 to index
          %swap3A_283 = arith.constant 48 : index
          %swap3A_284 = tpu.vector_load %arg9[%swap3A_282, %swap3A_283] {strides = array<i32>} : memref<256x64xf32, #tpu.memory_space<vmem>>, vector<1x16xf32>,
          %swap3A_285 = vector.shape_cast %swap3A_284 : vector<1x16xf32> to vector<16xf32>
          %swap3A_286 = vector.shape_cast %get3A_277 : vector<16xf32> to vector<1x16xf32>
          tpu.vector_store %arg9[%swap3A_282, %swap3A_283], %swap3A_286 {strides = array<i32>} : memref<256x64xf32, #tpu.memory_space<vmem>>, vector<1x16xf32>,
          %mul3A_287 = arith.constant 4 : i32
          %mul3A_288 = arith.muli %scan3A_84, %mul3A_287 : i32
          %add3A_289 = arith.constant 3 : i32
          %add3A_290 = arith.addi %mul3A_288, %add3A_289 : i32
          %get3A_291 = arith.index_cast %add3A_290 : i32 to index
          %get3A_292 = arith.constant 0 : index
          %get3A_293 = tpu.vector_load %arg7[%get3A_291, %get3A_292] {strides = array<i32>} : memref<256x128xf32, #tpu.memory_space<vmem>>, vector<1x16xf32>,
          %get3A_294 = vector.shape_cast %get3A_293 : vector<1x16xf32> to vector<16xf32>
          %mul3A_295 = arith.constant 4 : i32
          %mul3A_296 = arith.muli %scan3A_84, %mul3A_295 : i32
          %add3A_297 = arith.constant 3 : i32
          %add3A_298 = arith.addi %mul3A_296, %add3A_297 : i32
          %swap3A_299 = arith.index_cast %add3A_298 : i32 to index
          %swap3A_300 = arith.constant 0 : index
          %swap3A_301 = tpu.vector_load %arg9[%swap3A_299, %swap3A_300] {strides = array<i32>} : memref<256x64xf32, #tpu.memory_space<vmem>>, vector<1x16xf32>,
          %swap3A_302 = vector.shape_cast %swap3A_301 : vector<1x16xf32> to vector<16xf32>
          %swap3A_303 = vector.shape_cast %get3A_294 : vector<16xf32> to vector<1x16xf32>
          tpu.vector_store %arg9[%swap3A_299, %swap3A_300], %swap3A_303 {strides = array<i32>} : memref<256x64xf32, #tpu.memory_space<vmem>>, vector<1x16xf32>,
          %mul3A_304 = arith.constant 4 : i32
          %mul3A_305 = arith.muli %scan3A_84, %mul3A_304 : i32
          %add3A_306 = arith.constant 3 : i32
          %add3A_307 = arith.addi %mul3A_305, %add3A_306 : i32
          %get3A_308 = arith.index_cast %add3A_307 : i32 to index
          %get3A_309 = arith.constant 16 : index
          %get3A_310 = tpu.vector_load %arg7[%get3A_308, %get3A_309] {strides = array<i32>} : memref<256x128xf32, #tpu.memory_space<vmem>>, vector<1x16xf32>,
          %get3A_311 = vector.shape_cast %get3A_310 : vector<1x16xf32> to vector<16xf32>
          %mul3A_312 = arith.constant 4 : i32
          %mul3A_313 = arith.muli %scan3A_84, %mul3A_312 : i32
          %add3A_314 = arith.constant 3 : i32
          %add3A_315 = arith.addi %mul3A_313, %add3A_314 : i32
          %swap3A_316 = arith.index_cast %add3A_315 : i32 to index
          %swap3A_317 = arith.constant 16 : index
          %swap3A_318 = tpu.vector_load %arg9[%swap3A_316, %swap3A_317] {strides = array<i32>} : memref<256x64xf32, #tpu.memory_space<vmem>>, vector<1x16xf32>,
          %swap3A_319 = vector.shape_cast %swap3A_318 : vector<1x16xf32> to vector<16xf32>
          %swap3A_320 = vector.shape_cast %get3A_311 : vector<16xf32> to vector<1x16xf32>
          tpu.vector_store %arg9[%swap3A_316, %swap3A_317], %swap3A_320 {strides = array<i32>} : memref<256x64xf32, #tpu.memory_space<vmem>>, vector<1x16xf32>,
          %mul3A_321 = arith.constant 4 : i32
          %mul3A_322 = arith.muli %scan3A_84, %mul3A_321 : i32
          %add3A_323 = arith.constant 3 : i32
          %add3A_324 = arith.addi %mul3A_322, %add3A_323 : i32
          %get3A_325 = arith.index_cast %add3A_324 : i32 to index
          %get3A_326 = arith.constant 32 : index
          %get3A_327 = tpu.vector_load %arg7[%get3A_325, %get3A_326] {strides = array<i32>} : memref<256x128xf32, #tpu.memory_space<vmem>>, vector<1x16xf32>,
          %get3A_328 = vector.shape_cast %get3A_327 : vector<1x16xf32> to vector<16xf32>
          %mul3A_329 = arith.constant 4 : i32
          %mul3A_330 = arith.muli %scan3A_84, %mul3A_329 : i32
          %add3A_331 = arith.constant 3 : i32
          %add3A_332 = arith.addi %mul3A_330, %add3A_331 : i32
          %swap3A_333 = arith.index_cast %add3A_332 : i32 to index
          %swap3A_334 = arith.constant 32 : index
          %swap3A_335 = tpu.vector_load %arg9[%swap3A_333, %swap3A_334] {strides = array<i32>} : memref<256x64xf32, #tpu.memory_space<vmem>>, vector<1x16xf32>,
          %swap3A_336 = vector.shape_cast %swap3A_335 : vector<1x16xf32> to vector<16xf32>
          %swap3A_337 = vector.shape_cast %get3A_328 : vector<16xf32> to vector<1x16xf32>
          tpu.vector_store %arg9[%swap3A_333, %swap3A_334], %swap3A_337 {strides = array<i32>} : memref<256x64xf32, #tpu.memory_space<vmem>>, vector<1x16xf32>,
          %mul3A_338 = arith.constant 4 : i32
          %mul3A_339 = arith.muli %scan3A_84, %mul3A_338 : i32
          %add3A_340 = arith.constant 3 : i32
          %add3A_341 = arith.addi %mul3A_339, %add3A_340 : i32
          %get3A_342 = arith.index_cast %add3A_341 : i32 to index
          %get3A_343 = arith.constant 48 : index
          %get3A_344 = tpu.vector_load %arg7[%get3A_342, %get3A_343] {strides = array<i32>} : memref<256x128xf32, #tpu.memory_space<vmem>>, vector<1x16xf32>,
          %get3A_345 = vector.shape_cast %get3A_344 : vector<1x16xf32> to vector<16xf32>
          %mul3A_346 = arith.constant 4 : i32
          %mul3A_347 = arith.muli %scan3A_84, %mul3A_346 : i32
          %add3A_348 = arith.constant 3 : i32
          %add3A_349 = arith.addi %mul3A_347, %add3A_348 : i32
          %swap3A_350 = arith.index_cast %add3A_349 : i32 to index
          %swap3A_351 = arith.constant 48 : index
          %swap3A_352 = tpu.vector_load %arg9[%swap3A_350, %swap3A_351] {strides = array<i32>} : memref<256x64xf32, #tpu.memory_space<vmem>>, vector<1x16xf32>,
          %swap3A_353 = vector.shape_cast %swap3A_352 : vector<1x16xf32> to vector<16xf32>
          %swap3A_354 = vector.shape_cast %get3A_345 : vector<16xf32> to vector<1x16xf32>
          tpu.vector_store %arg9[%swap3A_350, %swap3A_351], %swap3A_354 {strides = array<i32>} : memref<256x64xf32, #tpu.memory_space<vmem>>, vector<1x16xf32>,
        }
        %scan3A_53 = arith.constant 64 : i32
        %jit3A = arith.constant 510 : i32
        %div3A = arith.divsi %add3A_13, %jit3A : i32
        %sign3A = arith.constant 0 : i32
        %sign3A_54 = arith.cmpi sgt, %add3A_13, %sign3A : i32
        %sign3A_55 = arith.extui %sign3A_54 : i1 to i32
        %sign3A_56 = arith.constant 0 : i32
        %sign3A_57 = arith.cmpi slt, %add3A_13, %sign3A_56 : i32
        %sign3A_58 = arith.extui %sign3A_57 : i1 to i32
        %sign3A_59 = arith.subi %sign3A_55, %sign3A_58 : i32
        %sign3A_60 = arith.constant 0 : i32
        %sign3A_61 = arith.cmpi sgt, %jit3A, %sign3A_60 : i32
        %sign3A_62 = arith.extui %sign3A_61 : i1 to i32
        %sign3A_63 = arith.constant 0 : i32
        %sign3A_64 = arith.cmpi slt, %jit3A, %sign3A_63 : i32
        %sign3A_65 = arith.extui %sign3A_64 : i1 to i32
        %sign3A_66 = arith.subi %sign3A_62, %sign3A_65 : i32
        %ne3A = arith.cmpi ne, %sign3A_59, %sign3A_66 : i32
        %rem3A = arith.remsi %add3A_13, %jit3A : i32
        %ne3A_67 = arith.constant 0 : i32
        %ne3A_68 = arith.cmpi ne, %rem3A, %ne3A_67 : i32
        %and3A = arith.andi %ne3A, %ne3A_68 : i1
        %sub3A = arith.constant 1 : i32
        %sub3A_69 = arith.subi %div3A, %sub3A : i32
        %select_n3A = arith.select %and3A, %sub3A_69, %div3A : i32
        %mul3A_70 = arith.constant 510 : i32
        %mul3A_71 = arith.muli %select_n3A, %mul3A_70 : i32
        %sub3A_72 = arith.subi %add3A_13, %mul3A_71 : i32
        %mul3A_73 = arith.constant 256 : i32
        %mul3A_74 = arith.muli %sub3A_72, %mul3A_73 : i32
        %multiple_of3A = tpu.assume_multiple %mul3A_74, 256 : i32
        %lt3A_75 = arith.constant 509 : i32
        %lt3A_76 = arith.cmpi slt, %sub3A_72, %lt3A_75 : i32
        %convert_element_type3A_77 = arith.extui %lt3A_76 : i1 to i32
        %cond3A_78 = arith.constant 0 : i32
        %cond3A_79 = arith.cmpi ne, %convert_element_type3A_77, %cond3A_78 : i32
        scf.if %cond3A_79 {
          "tpu.region"() ({
            %run_scoped3A = tpu.sem_alloc : memref<!tpu.dma_semaphore, #tpu.memory_space<semaphore_mem>>
            %dma_start3A = arith.constant 0 : i32
            %dma_start3A_84 = tpu.memref_slice %arg4[%select_n3A, %multiple_of3A, %dma_start3A] : memref<4x130305x64xf32, #tpu.memory_space<hbm>> -> memref<1x256x64xf32, #tpu.memory_space<hbm>>
            %dma_start3A_85 = tpu.memref_squeeze %dma_start3A_84 : memref<1x256x64xf32, #tpu.memory_space<hbm>> -> memref<256x64xf32, #tpu.memory_space<hbm>>
            %dma_start3A_86 = arith.constant 0 : i32
            %dma_start3A_87 = tpu.memref_slice %arg4[%select_n3A, %multiple_of3A, %dma_start3A_86] : memref<4x130305x64xf32, #tpu.memory_space<hbm>> -> memref<1x256x64xf32, #tpu.memory_space<hbm>>
            %dma_start3A_88 = tpu.memref_squeeze %dma_start3A_87 : memref<1x256x64xf32, #tpu.memory_space<hbm>> -> memref<256x64xf32, #tpu.memory_space<hbm>>
            tpu.enqueue_dma source(%arg9 : memref<256x64xf32, #tpu.memory_space<vmem>>) target(%dma_start3A_88 : memref<256x64xf32, #tpu.memory_space<hbm>>) target_semaphore(%run_scoped3A : memref<!tpu.dma_semaphore, #tpu.memory_space<semaphore_mem>>)
            %dma_wait3A_89 = arith.constant 0 : i32
            %dma_wait3A_90 = tpu.memref_slice %arg4[%select_n3A, %multiple_of3A, %dma_wait3A_89] : memref<4x130305x64xf32, #tpu.memory_space<hbm>> -> memref<1x256x64xf32, #tpu.memory_space<hbm>>
            %dma_wait3A_91 = tpu.memref_squeeze %dma_wait3A_90 : memref<1x256x64xf32, #tpu.memory_space<hbm>> -> memref<256x64xf32, #tpu.memory_space<hbm>>
            %dma_wait3A_92 = arith.constant 0 : i32
            %dma_wait3A_93 = tpu.memref_slice %arg4[%select_n3A, %multiple_of3A, %dma_wait3A_92] : memref<4x130305x64xf32, #tpu.memory_space<hbm>> -> memref<1x256x64xf32, #tpu.memory_space<hbm>>
            %dma_wait3A_94 = tpu.memref_squeeze %dma_wait3A_93 : memref<1x256x64xf32, #tpu.memory_space<hbm>> -> memref<256x64xf32, #tpu.memory_space<hbm>>
            tpu.wait_dma2 semaphore(%run_scoped3A : memref<!tpu.dma_semaphore, #tpu.memory_space<semaphore_mem>>) src(%arg9 : memref<256x64xf32, #tpu.memory_space<vmem>>) dst(%dma_wait3A_94 : memref<256x64xf32, #tpu.memory_space<hbm>>)
            tpu.yield
          }) : () -> ()
        } else {
        }
        %eq3A = arith.constant 509 : i32
        %eq3A_80 = arith.cmpi eq, %sub3A_72, %eq3A : i32
        %convert_element_type3A_81 = arith.extui %eq3A_80 : i1 to i32
        %cond3A_82 = arith.constant 0 : i32
        %cond3A_83 = arith.cmpi ne, %convert_element_type3A_81, %cond3A_82 : i32
        scf.if %cond3A_83 {
          "tpu.region"() ({
            %run_scoped3A = tpu.sem_alloc : memref<!tpu.dma_semaphore, #tpu.memory_space<semaphore_mem>>
            %dma_start3A = arith.constant 0 : i32
            %dma_start3A_84 = arith.constant 0 : i32
            %dma_start3A_85 = tpu.memref_slice %arg9[%dma_start3A, %dma_start3A_84] : memref<256x64xf32, #tpu.memory_space<vmem>> -> memref<1x64xf32, #tpu.memory_space<vmem>>
            %dma_start3A_86 = arith.constant 130304 : i32
            %dma_start3A_87 = arith.constant 0 : i32
            %dma_start3A_88 = tpu.memref_slice %arg4[%select_n3A, %dma_start3A_86, %dma_start3A_87] : memref<4x130305x64xf32, #tpu.memory_space<hbm>> -> memref<1x1x64xf32, #tpu.memory_space<hbm>>
            %dma_start3A_89 = tpu.memref_squeeze %dma_start3A_88 : memref<1x1x64xf32, #tpu.memory_space<hbm>> -> memref<1x64xf32, #tpu.memory_space<hbm>>
            %dma_start3A_90 = arith.constant 130304 : i32
            %dma_start3A_91 = arith.constant 0 : i32
            %dma_start3A_92 = tpu.memref_slice %arg4[%select_n3A, %dma_start3A_90, %dma_start3A_91] : memref<4x130305x64xf32, #tpu.memory_space<hbm>> -> memref<1x1x64xf32, #tpu.memory_space<hbm>>
            %dma_start3A_93 = tpu.memref_squeeze %dma_start3A_92 : memref<1x1x64xf32, #tpu.memory_space<hbm>> -> memref<1x64xf32, #tpu.memory_space<hbm>>
            %dma_start3A_94 = arith.constant 0 : i32
            %dma_start3A_95 = arith.constant 0 : i32
            %dma_start3A_96 = tpu.memref_slice %arg9[%dma_start3A_94, %dma_start3A_95] : memref<256x64xf32, #tpu.memory_space<vmem>> -> memref<1x64xf32, #tpu.memory_space<vmem>>
            tpu.enqueue_dma source(%dma_start3A_96 : memref<1x64xf32, #tpu.memory_space<vmem>>) target(%dma_start3A_93 : memref<1x64xf32, #tpu.memory_space<hbm>>) target_semaphore(%run_scoped3A : memref<!tpu.dma_semaphore, #tpu.memory_space<semaphore_mem>>)
            %dma_wait3A_97 = arith.constant 0 : i32
            %dma_wait3A_98 = arith.constant 0 : i32
            %dma_wait3A_99 = tpu.memref_slice %arg9[%dma_wait3A_97, %dma_wait3A_98] : memref<256x64xf32, #tpu.memory_space<vmem>> -> memref<1x64xf32, #tpu.memory_space<vmem>>
            %dma_wait3A_100 = arith.constant 130304 : i32
            %dma_wait3A_101 = arith.constant 0 : i32
            %dma_wait3A_102 = tpu.memref_slice %arg4[%select_n3A, %dma_wait3A_100, %dma_wait3A_101] : memref<4x130305x64xf32, #tpu.memory_space<hbm>> -> memref<1x1x64xf32, #tpu.memory_space<hbm>>
            %dma_wait3A_103 = tpu.memref_squeeze %dma_wait3A_102 : memref<1x1x64xf32, #tpu.memory_space<hbm>> -> memref<1x64xf32, #tpu.memory_space<hbm>>
            %dma_wait3A_104 = arith.constant 130304 : i32
            %dma_wait3A_105 = arith.constant 0 : i32
            %dma_wait3A_106 = tpu.memref_slice %arg4[%select_n3A, %dma_wait3A_104, %dma_wait3A_105] : memref<4x130305x64xf32, #tpu.memory_space<hbm>> -> memref<1x1x64xf32, #tpu.memory_space<hbm>>
            %dma_wait3A_107 = tpu.memref_squeeze %dma_wait3A_106 : memref<1x1x64xf32, #tpu.memory_space<hbm>> -> memref<1x64xf32, #tpu.memory_space<hbm>>
            %dma_wait3A_108 = arith.constant 0 : i32
            %dma_wait3A_109 = arith.constant 0 : i32
            %dma_wait3A_110 = tpu.memref_slice %arg9[%dma_wait3A_108, %dma_wait3A_109] : memref<256x64xf32, #tpu.memory_space<vmem>> -> memref<1x64xf32, #tpu.memory_space<vmem>>
            tpu.wait_dma2 semaphore(%run_scoped3A : memref<!tpu.dma_semaphore, #tpu.memory_space<semaphore_mem>>) src(%dma_wait3A_110 : memref<1x64xf32, #tpu.memory_space<vmem>>) dst(%dma_wait3A_107 : memref<1x64xf32, #tpu.memory_space<hbm>>)
            tpu.yield
          }) : () -> ()
        } else {
        }
      } else {
      }
      %add3A_26 = arith.constant 64 : i32
      %add3A_27 = arith.addi %add3A_13, %add3A_26 : i32
      %lt3A_28 = arith.constant 2040 : i32
      %lt3A_29 = arith.cmpi slt, %add3A_27, %lt3A_28 : i32
      %convert_element_type3A_30 = arith.extui %lt3A_29 : i1 to i32
      %cond3A_31 = arith.constant 0 : i32
      %cond3A_32 = arith.cmpi ne, %convert_element_type3A_30, %cond3A_31 : i32
      scf.if %cond3A_32 {
        %jit3A = arith.constant 510 : i32
        %div3A = arith.divsi %add3A_27, %jit3A : i32
        %sign3A = arith.constant 0 : i32
        %sign3A_40 = arith.cmpi sgt, %add3A_27, %sign3A : i32
        %sign3A_41 = arith.extui %sign3A_40 : i1 to i32
        %sign3A_42 = arith.constant 0 : i32
        %sign3A_43 = arith.cmpi slt, %add3A_27, %sign3A_42 : i32
        %sign3A_44 = arith.extui %sign3A_43 : i1 to i32
        %sign3A_45 = arith.subi %sign3A_41, %sign3A_44 : i32
        %sign3A_46 = arith.constant 0 : i32
        %sign3A_47 = arith.cmpi sgt, %jit3A, %sign3A_46 : i32
        %sign3A_48 = arith.extui %sign3A_47 : i1 to i32
        %sign3A_49 = arith.constant 0 : i32
        %sign3A_50 = arith.cmpi slt, %jit3A, %sign3A_49 : i32
        %sign3A_51 = arith.extui %sign3A_50 : i1 to i32
        %sign3A_52 = arith.subi %sign3A_48, %sign3A_51 : i32
        %ne3A = arith.cmpi ne, %sign3A_45, %sign3A_52 : i32
        %rem3A = arith.remsi %add3A_27, %jit3A : i32
        %ne3A_53 = arith.constant 0 : i32
        %ne3A_54 = arith.cmpi ne, %rem3A, %ne3A_53 : i32
        %and3A = arith.andi %ne3A, %ne3A_54 : i1
        %sub3A = arith.constant 1 : i32
        %sub3A_55 = arith.subi %div3A, %sub3A : i32
        %select_n3A = arith.select %and3A, %sub3A_55, %div3A : i32
        "tpu.region"() ({
          %run_scoped3A = tpu.sem_alloc : memref<!tpu.dma_semaphore, #tpu.memory_space<semaphore_mem>>
          %dma_start3A_83 = arith.constant 0 : i32
          %dma_start3A_84 = arith.constant 0 : i32
          %dma_start3A_85 = tpu.memref_slice %arg3[%add3A_27, %dma_start3A_83, %dma_start3A_84] : memref<2040x2x128xi32, #tpu.memory_space<hbm>> -> memref<1x2x128xi32, #tpu.memory_space<hbm>>
          %dma_start3A_86 = tpu.memref_squeeze %dma_start3A_85 : memref<1x2x128xi32, #tpu.memory_space<hbm>> -> memref<2x128xi32, #tpu.memory_space<hbm>>
          %dma_start3A_87 = arith.constant 0 : i32
          %dma_start3A_88 = arith.constant 0 : i32
          %dma_start3A_89 = tpu.memref_slice %arg3[%add3A_27, %dma_start3A_87, %dma_start3A_88] : memref<2040x2x128xi32, #tpu.memory_space<hbm>> -> memref<1x2x128xi32, #tpu.memory_space<hbm>>
          %dma_start3A_90 = tpu.memref_squeeze %dma_start3A_89 : memref<1x2x128xi32, #tpu.memory_space<hbm>> -> memref<2x128xi32, #tpu.memory_space<hbm>>
          tpu.enqueue_dma source(%dma_start3A_90 : memref<2x128xi32, #tpu.memory_space<hbm>>) target(%arg5 : memref<2x128xi32, #tpu.memory_space<vmem>>) target_semaphore(%run_scoped3A : memref<!tpu.dma_semaphore, #tpu.memory_space<semaphore_mem>>)
          %dma_wait3A = arith.constant 0 : i32
          %dma_wait3A_91 = arith.constant 0 : i32
          %dma_wait3A_92 = tpu.memref_slice %arg3[%add3A_27, %dma_wait3A, %dma_wait3A_91] : memref<2040x2x128xi32, #tpu.memory_space<hbm>> -> memref<1x2x128xi32, #tpu.memory_space<hbm>>
          %dma_wait3A_93 = tpu.memref_squeeze %dma_wait3A_92 : memref<1x2x128xi32, #tpu.memory_space<hbm>> -> memref<2x128xi32, #tpu.memory_space<hbm>>
          %dma_wait3A_94 = arith.constant 0 : i32
          %dma_wait3A_95 = arith.constant 0 : i32
          %dma_wait3A_96 = tpu.memref_slice %arg3[%add3A_27, %dma_wait3A_94, %dma_wait3A_95] : memref<2040x2x128xi32, #tpu.memory_space<hbm>> -> memref<1x2x128xi32, #tpu.memory_space<hbm>>
          %dma_wait3A_97 = tpu.memref_squeeze %dma_wait3A_96 : memref<1x2x128xi32, #tpu.memory_space<hbm>> -> memref<2x128xi32, #tpu.memory_space<hbm>>
          tpu.wait_dma2 semaphore(%run_scoped3A : memref<!tpu.dma_semaphore, #tpu.memory_space<semaphore_mem>>) src(%dma_wait3A_97 : memref<2x128xi32, #tpu.memory_space<hbm>>) dst(%arg5 : memref<2x128xi32, #tpu.memory_space<vmem>>)
          tpu.yield
        }) : () -> ()
        %dma_start3A = arith.constant 0 : i32
        %dma_start3A_56 = arith.constant 0 : i32
        %dma_start3A_57 = arith.constant 0 : i32
        %dma_start3A_58 = tpu.memref_slice %arg7[%dma_start3A_56, %dma_start3A_57] : memref<256x128xf32, #tpu.memory_space<vmem>> -> memref<128x128xf32, #tpu.memory_space<vmem>>
        %dma_start3A_59 = arith.constant 0 : i32
        %dma_start3A_60 = tpu.memref_slice %arg5[%dma_start3A, %dma_start3A_59] : memref<2x128xi32, #tpu.memory_space<vmem>> -> memref<1x128xi32, #tpu.memory_space<vmem>>
        %dma_start3A_61 = tpu.memref_squeeze %dma_start3A_60 : memref<1x128xi32, #tpu.memory_space<vmem>> -> memref<128xi32, #tpu.memory_space<vmem>>
        %dma_start3A_62 = arith.constant 0 : i32
        %dma_start3A_63 = arith.constant 0 : i32
        %dma_start3A_64 = tpu.memref_slice %arg2[%select_n3A, %dma_start3A_62, %dma_start3A_63] : memref<4x130305x128xf32, #tpu.memory_space<hbm>> -> memref<1x130305x128xf32, #tpu.memory_space<hbm>>
        %dma_start3A_65 = tpu.memref_squeeze %dma_start3A_64 : memref<1x130305x128xf32, #tpu.memory_space<hbm>> -> memref<130305x128xf32, #tpu.memory_space<hbm>>
        %dma_start3A_66 = arith.constant 0 : i32
        %dma_start3A_67 = arith.constant 0 : i32
        %dma_start3A_68 = tpu.memref_slice %dma_start3A_65[%dma_start3A_66, %dma_start3A_67] : memref<130305x128xf32, #tpu.memory_space<hbm>> -> memref<130305x128xf32, #tpu.memory_space<hbm>>
        tpu.enqueue_indirect_dma source(%dma_start3A_68 : memref<130305x128xf32, #tpu.memory_space<hbm>>) target(%dma_start3A_58 : memref<128x128xf32, #tpu.memory_space<vmem>>) offsets(%dma_start3A_61 : memref<128xi32, #tpu.memory_space<vmem>>) semaphore(%arg10 : memref<!tpu.dma_semaphore, #tpu.memory_space<semaphore_mem>>)
        %dma_start3A_69 = arith.constant 1 : i32
        %dma_start3A_70 = arith.constant 128 : i32
        %dma_start3A_71 = arith.constant 0 : i32
        %dma_start3A_72 = tpu.memref_slice %arg7[%dma_start3A_70, %dma_start3A_71] : memref<256x128xf32, #tpu.memory_space<vmem>> -> memref<128x128xf32, #tpu.memory_space<vmem>>
        %dma_start3A_73 = arith.constant 0 : i32
        %dma_start3A_74 = tpu.memref_slice %arg5[%dma_start3A_69, %dma_start3A_73] : memref<2x128xi32, #tpu.memory_space<vmem>> -> memref<1x128xi32, #tpu.memory_space<vmem>>
        %dma_start3A_75 = tpu.memref_squeeze %dma_start3A_74 : memref<1x128xi32, #tpu.memory_space<vmem>> -> memref<128xi32, #tpu.memory_space<vmem>>
        %dma_start3A_76 = arith.constant 0 : i32
        %dma_start3A_77 = arith.constant 0 : i32
        %dma_start3A_78 = tpu.memref_slice %arg2[%select_n3A, %dma_start3A_76, %dma_start3A_77] : memref<4x130305x128xf32, #tpu.memory_space<hbm>> -> memref<1x130305x128xf32, #tpu.memory_space<hbm>>
        %dma_start3A_79 = tpu.memref_squeeze %dma_start3A_78 : memref<1x130305x128xf32, #tpu.memory_space<hbm>> -> memref<130305x128xf32, #tpu.memory_space<hbm>>
        %dma_start3A_80 = arith.constant 0 : i32
        %dma_start3A_81 = arith.constant 0 : i32
        %dma_start3A_82 = tpu.memref_slice %dma_start3A_79[%dma_start3A_80, %dma_start3A_81] : memref<130305x128xf32, #tpu.memory_space<hbm>> -> memref<130305x128xf32, #tpu.memory_space<hbm>>
        tpu.enqueue_indirect_dma source(%dma_start3A_82 : memref<130305x128xf32, #tpu.memory_space<hbm>>) target(%dma_start3A_72 : memref<128x128xf32, #tpu.memory_space<vmem>>) offsets(%dma_start3A_75 : memref<128xi32, #tpu.memory_space<vmem>>) semaphore(%arg10 : memref<!tpu.dma_semaphore, #tpu.memory_space<semaphore_mem>>)
      } else {
      }
      %add3A_33 = arith.constant 32 : i32
      %add3A_34 = arith.addi %add3A_13, %add3A_33 : i32
      %lt3A_35 = arith.constant 2040 : i32
      %lt3A_36 = arith.cmpi slt, %add3A_34, %lt3A_35 : i32
      %convert_element_type3A_37 = arith.extui %lt3A_36 : i1 to i32
      %cond3A_38 = arith.constant 0 : i32
      %cond3A_39 = arith.cmpi ne, %convert_element_type3A_37, %cond3A_38 : i32
      scf.if %cond3A_39 {
        %dma_wait3A = arith.constant 0 : i32
        %dma_wait3A_40 = arith.constant 0 : i32
        %dma_wait3A_41 = arith.constant 0 : i32
        %dma_wait3A_42 = tpu.memref_slice %arg2[%dma_wait3A, %dma_wait3A_40, %dma_wait3A_41] : memref<4x130305x128xf32, #tpu.memory_space<hbm>> -> memref<1x256x128xf32, #tpu.memory_space<hbm>>
        %dma_wait3A_43 = tpu.memref_squeeze %dma_wait3A_42 : memref<1x256x128xf32, #tpu.memory_space<hbm>> -> memref<256x128xf32, #tpu.memory_space<hbm>>
        %dma_wait3A_44 = arith.constant 0 : i32
        %dma_wait3A_45 = arith.constant 0 : i32
        %dma_wait3A_46 = tpu.memref_slice %arg2[%dma_wait3A, %dma_wait3A_44, %dma_wait3A_45] : memref<4x130305x128xf32, #tpu.memory_space<hbm>> -> memref<1x256x128xf32, #tpu.memory_space<hbm>>
        %dma_wait3A_47 = tpu.memref_squeeze %dma_wait3A_46 : memref<1x256x128xf32, #tpu.memory_space<hbm>> -> memref<256x128xf32, #tpu.memory_space<hbm>>
        tpu.wait_dma2 semaphore(%arg11 : memref<!tpu.dma_semaphore, #tpu.memory_space<semaphore_mem>>) src(%dma_wait3A_47 : memref<256x128xf32, #tpu.memory_space<hbm>>) dst(%arg8 : memref<256x128xf32, #tpu.memory_space<vmem>>)
        %scan3A_48 = arith.constant 0 : i32
        %scan3A_49 = arith.constant 0 : i32
        %scan3A_50 = arith.constant 64 : i32
        %scan3A_51 = arith.addi %scan3A_49, %scan3A_50 : i32
        %scan3A_52 = arith.constant 1 : i32
        scf.for %scan3A_84 = %scan3A_49 to %scan3A_51 step %scan3A_52  : i32 {
          %mul3A_85 = arith.constant 4 : i32
          %mul3A_86 = arith.muli %scan3A_84, %mul3A_85 : i32
          %add3A_87 = arith.constant 0 : i32
          %add3A_88 = arith.addi %mul3A_86, %add3A_87 : i32
          %get3A = arith.index_cast %add3A_88 : i32 to index
          %get3A_89 = arith.constant 0 : index
          %get3A_90 = tpu.vector_load %arg8[%get3A, %get3A_89] {strides = array<i32>} : memref<256x128xf32, #tpu.memory_space<vmem>>, vector<1x16xf32>,
          %get3A_91 = vector.shape_cast %get3A_90 : vector<1x16xf32> to vector<16xf32>
          %mul3A_92 = arith.constant 4 : i32
          %mul3A_93 = arith.muli %scan3A_84, %mul3A_92 : i32
          %add3A_94 = arith.constant 0 : i32
          %add3A_95 = arith.addi %mul3A_93, %add3A_94 : i32
          %swap3A = arith.index_cast %add3A_95 : i32 to index
          %swap3A_96 = arith.constant 0 : index
          %swap3A_97 = tpu.vector_load %arg9[%swap3A, %swap3A_96] {strides = array<i32>} : memref<256x64xf32, #tpu.memory_space<vmem>>, vector<1x16xf32>,
          %swap3A_98 = vector.shape_cast %swap3A_97 : vector<1x16xf32> to vector<16xf32>
          %swap3A_99 = vector.shape_cast %get3A_91 : vector<16xf32> to vector<1x16xf32>
          tpu.vector_store %arg9[%swap3A, %swap3A_96], %swap3A_99 {strides = array<i32>} : memref<256x64xf32, #tpu.memory_space<vmem>>, vector<1x16xf32>,
          %mul3A_100 = arith.constant 4 : i32
          %mul3A_101 = arith.muli %scan3A_84, %mul3A_100 : i32
          %add3A_102 = arith.constant 0 : i32
          %add3A_103 = arith.addi %mul3A_101, %add3A_102 : i32
          %get3A_104 = arith.index_cast %add3A_103 : i32 to index
          %get3A_105 = arith.constant 16 : index
          %get3A_106 = tpu.vector_load %arg8[%get3A_104, %get3A_105] {strides = array<i32>} : memref<256x128xf32, #tpu.memory_space<vmem>>, vector<1x16xf32>,
          %get3A_107 = vector.shape_cast %get3A_106 : vector<1x16xf32> to vector<16xf32>
          %mul3A_108 = arith.constant 4 : i32
          %mul3A_109 = arith.muli %scan3A_84, %mul3A_108 : i32
          %add3A_110 = arith.constant 0 : i32
          %add3A_111 = arith.addi %mul3A_109, %add3A_110 : i32
          %swap3A_112 = arith.index_cast %add3A_111 : i32 to index
          %swap3A_113 = arith.constant 16 : index
          %swap3A_114 = tpu.vector_load %arg9[%swap3A_112, %swap3A_113] {strides = array<i32>} : memref<256x64xf32, #tpu.memory_space<vmem>>, vector<1x16xf32>,
          %swap3A_115 = vector.shape_cast %swap3A_114 : vector<1x16xf32> to vector<16xf32>
          %swap3A_116 = vector.shape_cast %get3A_107 : vector<16xf32> to vector<1x16xf32>
          tpu.vector_store %arg9[%swap3A_112, %swap3A_113], %swap3A_116 {strides = array<i32>} : memref<256x64xf32, #tpu.memory_space<vmem>>, vector<1x16xf32>,
          %mul3A_117 = arith.constant 4 : i32
          %mul3A_118 = arith.muli %scan3A_84, %mul3A_117 : i32
          %add3A_119 = arith.constant 0 : i32
          %add3A_120 = arith.addi %mul3A_118, %add3A_119 : i32
          %get3A_121 = arith.index_cast %add3A_120 : i32 to index
          %get3A_122 = arith.constant 32 : index
          %get3A_123 = tpu.vector_load %arg8[%get3A_121, %get3A_122] {strides = array<i32>} : memref<256x128xf32, #tpu.memory_space<vmem>>, vector<1x16xf32>,
          %get3A_124 = vector.shape_cast %get3A_123 : vector<1x16xf32> to vector<16xf32>
          %mul3A_125 = arith.constant 4 : i32
          %mul3A_126 = arith.muli %scan3A_84, %mul3A_125 : i32
          %add3A_127 = arith.constant 0 : i32
          %add3A_128 = arith.addi %mul3A_126, %add3A_127 : i32
          %swap3A_129 = arith.index_cast %add3A_128 : i32 to index
          %swap3A_130 = arith.constant 32 : index
          %swap3A_131 = tpu.vector_load %arg9[%swap3A_129, %swap3A_130] {strides = array<i32>} : memref<256x64xf32, #tpu.memory_space<vmem>>, vector<1x16xf32>,
          %swap3A_132 = vector.shape_cast %swap3A_131 : vector<1x16xf32> to vector<16xf32>
          %swap3A_133 = vector.shape_cast %get3A_124 : vector<16xf32> to vector<1x16xf32>
          tpu.vector_store %arg9[%swap3A_129, %swap3A_130], %swap3A_133 {strides = array<i32>} : memref<256x64xf32, #tpu.memory_space<vmem>>, vector<1x16xf32>,
          %mul3A_134 = arith.constant 4 : i32
          %mul3A_135 = arith.muli %scan3A_84, %mul3A_134 : i32
          %add3A_136 = arith.constant 0 : i32
          %add3A_137 = arith.addi %mul3A_135, %add3A_136 : i32
          %get3A_138 = arith.index_cast %add3A_137 : i32 to index
          %get3A_139 = arith.constant 48 : index
          %get3A_140 = tpu.vector_load %arg8[%get3A_138, %get3A_139] {strides = array<i32>} : memref<256x128xf32, #tpu.memory_space<vmem>>, vector<1x16xf32>,
          %get3A_141 = vector.shape_cast %get3A_140 : vector<1x16xf32> to vector<16xf32>
          %mul3A_142 = arith.constant 4 : i32
          %mul3A_143 = arith.muli %scan3A_84, %mul3A_142 : i32
          %add3A_144 = arith.constant 0 : i32
          %add3A_145 = arith.addi %mul3A_143, %add3A_144 : i32
          %swap3A_146 = arith.index_cast %add3A_145 : i32 to index
          %swap3A_147 = arith.constant 48 : index
          %swap3A_148 = tpu.vector_load %arg9[%swap3A_146, %swap3A_147] {strides = array<i32>} : memref<256x64xf32, #tpu.memory_space<vmem>>, vector<1x16xf32>,
          %swap3A_149 = vector.shape_cast %swap3A_148 : vector<1x16xf32> to vector<16xf32>
          %swap3A_150 = vector.shape_cast %get3A_141 : vector<16xf32> to vector<1x16xf32>
          tpu.vector_store %arg9[%swap3A_146, %swap3A_147], %swap3A_150 {strides = array<i32>} : memref<256x64xf32, #tpu.memory_space<vmem>>, vector<1x16xf32>,
          %mul3A_151 = arith.constant 4 : i32
          %mul3A_152 = arith.muli %scan3A_84, %mul3A_151 : i32
          %add3A_153 = arith.constant 1 : i32
          %add3A_154 = arith.addi %mul3A_152, %add3A_153 : i32
          %get3A_155 = arith.index_cast %add3A_154 : i32 to index
          %get3A_156 = arith.constant 0 : index
          %get3A_157 = tpu.vector_load %arg8[%get3A_155, %get3A_156] {strides = array<i32>} : memref<256x128xf32, #tpu.memory_space<vmem>>, vector<1x16xf32>,
          %get3A_158 = vector.shape_cast %get3A_157 : vector<1x16xf32> to vector<16xf32>
          %mul3A_159 = arith.constant 4 : i32
          %mul3A_160 = arith.muli %scan3A_84, %mul3A_159 : i32
          %add3A_161 = arith.constant 1 : i32
          %add3A_162 = arith.addi %mul3A_160, %add3A_161 : i32
          %swap3A_163 = arith.index_cast %add3A_162 : i32 to index
          %swap3A_164 = arith.constant 0 : index
          %swap3A_165 = tpu.vector_load %arg9[%swap3A_163, %swap3A_164] {strides = array<i32>} : memref<256x64xf32, #tpu.memory_space<vmem>>, vector<1x16xf32>,
          %swap3A_166 = vector.shape_cast %swap3A_165 : vector<1x16xf32> to vector<16xf32>
          %swap3A_167 = vector.shape_cast %get3A_158 : vector<16xf32> to vector<1x16xf32>
          tpu.vector_store %arg9[%swap3A_163, %swap3A_164], %swap3A_167 {strides = array<i32>} : memref<256x64xf32, #tpu.memory_space<vmem>>, vector<1x16xf32>,
          %mul3A_168 = arith.constant 4 : i32
          %mul3A_169 = arith.muli %scan3A_84, %mul3A_168 : i32
          %add3A_170 = arith.constant 1 : i32
          %add3A_171 = arith.addi %mul3A_169, %add3A_170 : i32
          %get3A_172 = arith.index_cast %add3A_171 : i32 to index
          %get3A_173 = arith.constant 16 : index
          %get3A_174 = tpu.vector_load %arg8[%get3A_172, %get3A_173] {strides = array<i32>} : memref<256x128xf32, #tpu.memory_space<vmem>>, vector<1x16xf32>,
          %get3A_175 = vector.shape_cast %get3A_174 : vector<1x16xf32> to vector<16xf32>
          %mul3A_176 = arith.constant 4 : i32
          %mul3A_177 = arith.muli %scan3A_84, %mul3A_176 : i32
          %add3A_178 = arith.constant 1 : i32
          %add3A_179 = arith.addi %mul3A_177, %add3A_178 : i32
          %swap3A_180 = arith.index_cast %add3A_179 : i32 to index
          %swap3A_181 = arith.constant 16 : index
          %swap3A_182 = tpu.vector_load %arg9[%swap3A_180, %swap3A_181] {strides = array<i32>} : memref<256x64xf32, #tpu.memory_space<vmem>>, vector<1x16xf32>,
          %swap3A_183 = vector.shape_cast %swap3A_182 : vector<1x16xf32> to vector<16xf32>
          %swap3A_184 = vector.shape_cast %get3A_175 : vector<16xf32> to vector<1x16xf32>
          tpu.vector_store %arg9[%swap3A_180, %swap3A_181], %swap3A_184 {strides = array<i32>} : memref<256x64xf32, #tpu.memory_space<vmem>>, vector<1x16xf32>,
          %mul3A_185 = arith.constant 4 : i32
          %mul3A_186 = arith.muli %scan3A_84, %mul3A_185 : i32
          %add3A_187 = arith.constant 1 : i32
          %add3A_188 = arith.addi %mul3A_186, %add3A_187 : i32
          %get3A_189 = arith.index_cast %add3A_188 : i32 to index
          %get3A_190 = arith.constant 32 : index
          %get3A_191 = tpu.vector_load %arg8[%get3A_189, %get3A_190] {strides = array<i32>} : memref<256x128xf32, #tpu.memory_space<vmem>>, vector<1x16xf32>,
          %get3A_192 = vector.shape_cast %get3A_191 : vector<1x16xf32> to vector<16xf32>
          %mul3A_193 = arith.constant 4 : i32
          %mul3A_194 = arith.muli %scan3A_84, %mul3A_193 : i32
          %add3A_195 = arith.constant 1 : i32
          %add3A_196 = arith.addi %mul3A_194, %add3A_195 : i32
          %swap3A_197 = arith.index_cast %add3A_196 : i32 to index
          %swap3A_198 = arith.constant 32 : index
          %swap3A_199 = tpu.vector_load %arg9[%swap3A_197, %swap3A_198] {strides = array<i32>} : memref<256x64xf32, #tpu.memory_space<vmem>>, vector<1x16xf32>,
          %swap3A_200 = vector.shape_cast %swap3A_199 : vector<1x16xf32> to vector<16xf32>
          %swap3A_201 = vector.shape_cast %get3A_192 : vector<16xf32> to vector<1x16xf32>
          tpu.vector_store %arg9[%swap3A_197, %swap3A_198], %swap3A_201 {strides = array<i32>} : memref<256x64xf32, #tpu.memory_space<vmem>>, vector<1x16xf32>,
          %mul3A_202 = arith.constant 4 : i32
          %mul3A_203 = arith.muli %scan3A_84, %mul3A_202 : i32
          %add3A_204 = arith.constant 1 : i32
          %add3A_205 = arith.addi %mul3A_203, %add3A_204 : i32
          %get3A_206 = arith.index_cast %add3A_205 : i32 to index
          %get3A_207 = arith.constant 48 : index
          %get3A_208 = tpu.vector_load %arg8[%get3A_206, %get3A_207] {strides = array<i32>} : memref<256x128xf32, #tpu.memory_space<vmem>>, vector<1x16xf32>,
          %get3A_209 = vector.shape_cast %get3A_208 : vector<1x16xf32> to vector<16xf32>
          %mul3A_210 = arith.constant 4 : i32
          %mul3A_211 = arith.muli %scan3A_84, %mul3A_210 : i32
          %add3A_212 = arith.constant 1 : i32
          %add3A_213 = arith.addi %mul3A_211, %add3A_212 : i32
          %swap3A_214 = arith.index_cast %add3A_213 : i32 to index
          %swap3A_215 = arith.constant 48 : index
          %swap3A_216 = tpu.vector_load %arg9[%swap3A_214, %swap3A_215] {strides = array<i32>} : memref<256x64xf32, #tpu.memory_space<vmem>>, vector<1x16xf32>,
          %swap3A_217 = vector.shape_cast %swap3A_216 : vector<1x16xf32> to vector<16xf32>
          %swap3A_218 = vector.shape_cast %get3A_209 : vector<16xf32> to vector<1x16xf32>
          tpu.vector_store %arg9[%swap3A_214, %swap3A_215], %swap3A_218 {strides = array<i32>} : memref<256x64xf32, #tpu.memory_space<vmem>>, vector<1x16xf32>,
          %mul3A_219 = arith.constant 4 : i32
          %mul3A_220 = arith.muli %scan3A_84, %mul3A_219 : i32
          %add3A_221 = arith.constant 2 : i32
          %add3A_222 = arith.addi %mul3A_220, %add3A_221 : i32
          %get3A_223 = arith.index_cast %add3A_222 : i32 to index
          %get3A_224 = arith.constant 0 : index
          %get3A_225 = tpu.vector_load %arg8[%get3A_223, %get3A_224] {strides = array<i32>} : memref<256x128xf32, #tpu.memory_space<vmem>>, vector<1x16xf32>,
          %get3A_226 = vector.shape_cast %get3A_225 : vector<1x16xf32> to vector<16xf32>
          %mul3A_227 = arith.constant 4 : i32
          %mul3A_228 = arith.muli %scan3A_84, %mul3A_227 : i32
          %add3A_229 = arith.constant 2 : i32
          %add3A_230 = arith.addi %mul3A_228, %add3A_229 : i32
          %swap3A_231 = arith.index_cast %add3A_230 : i32 to index
          %swap3A_232 = arith.constant 0 : index
          %swap3A_233 = tpu.vector_load %arg9[%swap3A_231, %swap3A_232] {strides = array<i32>} : memref<256x64xf32, #tpu.memory_space<vmem>>, vector<1x16xf32>,
          %swap3A_234 = vector.shape_cast %swap3A_233 : vector<1x16xf32> to vector<16xf32>
          %swap3A_235 = vector.shape_cast %get3A_226 : vector<16xf32> to vector<1x16xf32>
          tpu.vector_store %arg9[%swap3A_231, %swap3A_232], %swap3A_235 {strides = array<i32>} : memref<256x64xf32, #tpu.memory_space<vmem>>, vector<1x16xf32>,
          %mul3A_236 = arith.constant 4 : i32
          %mul3A_237 = arith.muli %scan3A_84, %mul3A_236 : i32
          %add3A_238 = arith.constant 2 : i32
          %add3A_239 = arith.addi %mul3A_237, %add3A_238 : i32
          %get3A_240 = arith.index_cast %add3A_239 : i32 to index
          %get3A_241 = arith.constant 16 : index
          %get3A_242 = tpu.vector_load %arg8[%get3A_240, %get3A_241] {strides = array<i32>} : memref<256x128xf32, #tpu.memory_space<vmem>>, vector<1x16xf32>,
          %get3A_243 = vector.shape_cast %get3A_242 : vector<1x16xf32> to vector<16xf32>
          %mul3A_244 = arith.constant 4 : i32
          %mul3A_245 = arith.muli %scan3A_84, %mul3A_244 : i32
          %add3A_246 = arith.constant 2 : i32
          %add3A_247 = arith.addi %mul3A_245, %add3A_246 : i32
          %swap3A_248 = arith.index_cast %add3A_247 : i32 to index
          %swap3A_249 = arith.constant 16 : index
          %swap3A_250 = tpu.vector_load %arg9[%swap3A_248, %swap3A_249] {strides = array<i32>} : memref<256x64xf32, #tpu.memory_space<vmem>>, vector<1x16xf32>,
          %swap3A_251 = vector.shape_cast %swap3A_250 : vector<1x16xf32> to vector<16xf32>
          %swap3A_252 = vector.shape_cast %get3A_243 : vector<16xf32> to vector<1x16xf32>
          tpu.vector_store %arg9[%swap3A_248, %swap3A_249], %swap3A_252 {strides = array<i32>} : memref<256x64xf32, #tpu.memory_space<vmem>>, vector<1x16xf32>,
          %mul3A_253 = arith.constant 4 : i32
          %mul3A_254 = arith.muli %scan3A_84, %mul3A_253 : i32
          %add3A_255 = arith.constant 2 : i32
          %add3A_256 = arith.addi %mul3A_254, %add3A_255 : i32
          %get3A_257 = arith.index_cast %add3A_256 : i32 to index
          %get3A_258 = arith.constant 32 : index
          %get3A_259 = tpu.vector_load %arg8[%get3A_257, %get3A_258] {strides = array<i32>} : memref<256x128xf32, #tpu.memory_space<vmem>>, vector<1x16xf32>,
          %get3A_260 = vector.shape_cast %get3A_259 : vector<1x16xf32> to vector<16xf32>
          %mul3A_261 = arith.constant 4 : i32
          %mul3A_262 = arith.muli %scan3A_84, %mul3A_261 : i32
          %add3A_263 = arith.constant 2 : i32
          %add3A_264 = arith.addi %mul3A_262, %add3A_263 : i32
          %swap3A_265 = arith.index_cast %add3A_264 : i32 to index
          %swap3A_266 = arith.constant 32 : index
          %swap3A_267 = tpu.vector_load %arg9[%swap3A_265, %swap3A_266] {strides = array<i32>} : memref<256x64xf32, #tpu.memory_space<vmem>>, vector<1x16xf32>,
          %swap3A_268 = vector.shape_cast %swap3A_267 : vector<1x16xf32> to vector<16xf32>
          %swap3A_269 = vector.shape_cast %get3A_260 : vector<16xf32> to vector<1x16xf32>
          tpu.vector_store %arg9[%swap3A_265, %swap3A_266], %swap3A_269 {strides = array<i32>} : memref<256x64xf32, #tpu.memory_space<vmem>>, vector<1x16xf32>,
          %mul3A_270 = arith.constant 4 : i32
          %mul3A_271 = arith.muli %scan3A_84, %mul3A_270 : i32
          %add3A_272 = arith.constant 2 : i32
          %add3A_273 = arith.addi %mul3A_271, %add3A_272 : i32
          %get3A_274 = arith.index_cast %add3A_273 : i32 to index
          %get3A_275 = arith.constant 48 : index
          %get3A_276 = tpu.vector_load %arg8[%get3A_274, %get3A_275] {strides = array<i32>} : memref<256x128xf32, #tpu.memory_space<vmem>>, vector<1x16xf32>,
          %get3A_277 = vector.shape_cast %get3A_276 : vector<1x16xf32> to vector<16xf32>
          %mul3A_278 = arith.constant 4 : i32
          %mul3A_279 = arith.muli %scan3A_84, %mul3A_278 : i32
          %add3A_280 = arith.constant 2 : i32
          %add3A_281 = arith.addi %mul3A_279, %add3A_280 : i32
          %swap3A_282 = arith.index_cast %add3A_281 : i32 to index
          %swap3A_283 = arith.constant 48 : index
          %swap3A_284 = tpu.vector_load %arg9[%swap3A_282, %swap3A_283] {strides = array<i32>} : memref<256x64xf32, #tpu.memory_space<vmem>>, vector<1x16xf32>,
          %swap3A_285 = vector.shape_cast %swap3A_284 : vector<1x16xf32> to vector<16xf32>
          %swap3A_286 = vector.shape_cast %get3A_277 : vector<16xf32> to vector<1x16xf32>
          tpu.vector_store %arg9[%swap3A_282, %swap3A_283], %swap3A_286 {strides = array<i32>} : memref<256x64xf32, #tpu.memory_space<vmem>>, vector<1x16xf32>,
          %mul3A_287 = arith.constant 4 : i32
          %mul3A_288 = arith.muli %scan3A_84, %mul3A_287 : i32
          %add3A_289 = arith.constant 3 : i32
          %add3A_290 = arith.addi %mul3A_288, %add3A_289 : i32
          %get3A_291 = arith.index_cast %add3A_290 : i32 to index
          %get3A_292 = arith.constant 0 : index
          %get3A_293 = tpu.vector_load %arg8[%get3A_291, %get3A_292] {strides = array<i32>} : memref<256x128xf32, #tpu.memory_space<vmem>>, vector<1x16xf32>,
          %get3A_294 = vector.shape_cast %get3A_293 : vector<1x16xf32> to vector<16xf32>
          %mul3A_295 = arith.constant 4 : i32
          %mul3A_296 = arith.muli %scan3A_84, %mul3A_295 : i32
          %add3A_297 = arith.constant 3 : i32
          %add3A_298 = arith.addi %mul3A_296, %add3A_297 : i32
          %swap3A_299 = arith.index_cast %add3A_298 : i32 to index
          %swap3A_300 = arith.constant 0 : index
          %swap3A_301 = tpu.vector_load %arg9[%swap3A_299, %swap3A_300] {strides = array<i32>} : memref<256x64xf32, #tpu.memory_space<vmem>>, vector<1x16xf32>,
          %swap3A_302 = vector.shape_cast %swap3A_301 : vector<1x16xf32> to vector<16xf32>
          %swap3A_303 = vector.shape_cast %get3A_294 : vector<16xf32> to vector<1x16xf32>
          tpu.vector_store %arg9[%swap3A_299, %swap3A_300], %swap3A_303 {strides = array<i32>} : memref<256x64xf32, #tpu.memory_space<vmem>>, vector<1x16xf32>,
          %mul3A_304 = arith.constant 4 : i32
          %mul3A_305 = arith.muli %scan3A_84, %mul3A_304 : i32
          %add3A_306 = arith.constant 3 : i32
          %add3A_307 = arith.addi %mul3A_305, %add3A_306 : i32
          %get3A_308 = arith.index_cast %add3A_307 : i32 to index
          %get3A_309 = arith.constant 16 : index
          %get3A_310 = tpu.vector_load %arg8[%get3A_308, %get3A_309] {strides = array<i32>} : memref<256x128xf32, #tpu.memory_space<vmem>>, vector<1x16xf32>,
          %get3A_311 = vector.shape_cast %get3A_310 : vector<1x16xf32> to vector<16xf32>
          %mul3A_312 = arith.constant 4 : i32
          %mul3A_313 = arith.muli %scan3A_84, %mul3A_312 : i32
          %add3A_314 = arith.constant 3 : i32
          %add3A_315 = arith.addi %mul3A_313, %add3A_314 : i32
          %swap3A_316 = arith.index_cast %add3A_315 : i32 to index
          %swap3A_317 = arith.constant 16 : index
          %swap3A_318 = tpu.vector_load %arg9[%swap3A_316, %swap3A_317] {strides = array<i32>} : memref<256x64xf32, #tpu.memory_space<vmem>>, vector<1x16xf32>,
          %swap3A_319 = vector.shape_cast %swap3A_318 : vector<1x16xf32> to vector<16xf32>
          %swap3A_320 = vector.shape_cast %get3A_311 : vector<16xf32> to vector<1x16xf32>
          tpu.vector_store %arg9[%swap3A_316, %swap3A_317], %swap3A_320 {strides = array<i32>} : memref<256x64xf32, #tpu.memory_space<vmem>>, vector<1x16xf32>,
          %mul3A_321 = arith.constant 4 : i32
          %mul3A_322 = arith.muli %scan3A_84, %mul3A_321 : i32
          %add3A_323 = arith.constant 3 : i32
          %add3A_324 = arith.addi %mul3A_322, %add3A_323 : i32
          %get3A_325 = arith.index_cast %add3A_324 : i32 to index
          %get3A_326 = arith.constant 32 : index
          %get3A_327 = tpu.vector_load %arg8[%get3A_325, %get3A_326] {strides = array<i32>} : memref<256x128xf32, #tpu.memory_space<vmem>>, vector<1x16xf32>,
          %get3A_328 = vector.shape_cast %get3A_327 : vector<1x16xf32> to vector<16xf32>
          %mul3A_329 = arith.constant 4 : i32
          %mul3A_330 = arith.muli %scan3A_84, %mul3A_329 : i32
          %add3A_331 = arith.constant 3 : i32
          %add3A_332 = arith.addi %mul3A_330, %add3A_331 : i32
          %swap3A_333 = arith.index_cast %add3A_332 : i32 to index
          %swap3A_334 = arith.constant 32 : index
          %swap3A_335 = tpu.vector_load %arg9[%swap3A_333, %swap3A_334] {strides = array<i32>} : memref<256x64xf32, #tpu.memory_space<vmem>>, vector<1x16xf32>,
          %swap3A_336 = vector.shape_cast %swap3A_335 : vector<1x16xf32> to vector<16xf32>
          %swap3A_337 = vector.shape_cast %get3A_328 : vector<16xf32> to vector<1x16xf32>
          tpu.vector_store %arg9[%swap3A_333, %swap3A_334], %swap3A_337 {strides = array<i32>} : memref<256x64xf32, #tpu.memory_space<vmem>>, vector<1x16xf32>,
          %mul3A_338 = arith.constant 4 : i32
          %mul3A_339 = arith.muli %scan3A_84, %mul3A_338 : i32
          %add3A_340 = arith.constant 3 : i32
          %add3A_341 = arith.addi %mul3A_339, %add3A_340 : i32
          %get3A_342 = arith.index_cast %add3A_341 : i32 to index
          %get3A_343 = arith.constant 48 : index
          %get3A_344 = tpu.vector_load %arg8[%get3A_342, %get3A_343] {strides = array<i32>} : memref<256x128xf32, #tpu.memory_space<vmem>>, vector<1x16xf32>,
          %get3A_345 = vector.shape_cast %get3A_344 : vector<1x16xf32> to vector<16xf32>
          %mul3A_346 = arith.constant 4 : i32
          %mul3A_347 = arith.muli %scan3A_84, %mul3A_346 : i32
          %add3A_348 = arith.constant 3 : i32
          %add3A_349 = arith.addi %mul3A_347, %add3A_348 : i32
          %swap3A_350 = arith.index_cast %add3A_349 : i32 to index
          %swap3A_351 = arith.constant 48 : index
          %swap3A_352 = tpu.vector_load %arg9[%swap3A_350, %swap3A_351] {strides = array<i32>} : memref<256x64xf32, #tpu.memory_space<vmem>>, vector<1x16xf32>,
          %swap3A_353 = vector.shape_cast %swap3A_352 : vector<1x16xf32> to vector<16xf32>
          %swap3A_354 = vector.shape_cast %get3A_345 : vector<16xf32> to vector<1x16xf32>
          tpu.vector_store %arg9[%swap3A_350, %swap3A_351], %swap3A_354 {strides = array<i32>} : memref<256x64xf32, #tpu.memory_space<vmem>>, vector<1x16xf32>,
        }
        %scan3A_53 = arith.constant 64 : i32
        %jit3A = arith.constant 510 : i32
        %div3A = arith.divsi %add3A_34, %jit3A : i32
        %sign3A = arith.constant 0 : i32
        %sign3A_54 = arith.cmpi sgt, %add3A_34, %sign3A : i32
        %sign3A_55 = arith.extui %sign3A_54 : i1 to i32
        %sign3A_56 = arith.constant 0 : i32
        %sign3A_57 = arith.cmpi slt, %add3A_34, %sign3A_56 : i32
        %sign3A_58 = arith.extui %sign3A_57 : i1 to i32
        %sign3A_59 = arith.subi %sign3A_55, %sign3A_58 : i32
        %sign3A_60 = arith.constant 0 : i32
        %sign3A_61 = arith.cmpi sgt, %jit3A, %sign3A_60 : i32
        %sign3A_62 = arith.extui %sign3A_61 : i1 to i32
        %sign3A_63 = arith.constant 0 : i32
        %sign3A_64 = arith.cmpi slt, %jit3A, %sign3A_63 : i32
        %sign3A_65 = arith.extui %sign3A_64 : i1 to i32
        %sign3A_66 = arith.subi %sign3A_62, %sign3A_65 : i32
        %ne3A = arith.cmpi ne, %sign3A_59, %sign3A_66 : i32
        %rem3A = arith.remsi %add3A_34, %jit3A : i32
        %ne3A_67 = arith.constant 0 : i32
        %ne3A_68 = arith.cmpi ne, %rem3A, %ne3A_67 : i32
        %and3A = arith.andi %ne3A, %ne3A_68 : i1
        %sub3A = arith.constant 1 : i32
        %sub3A_69 = arith.subi %div3A, %sub3A : i32
        %select_n3A = arith.select %and3A, %sub3A_69, %div3A : i32
        %mul3A_70 = arith.constant 510 : i32
        %mul3A_71 = arith.muli %select_n3A, %mul3A_70 : i32
        %sub3A_72 = arith.subi %add3A_34, %mul3A_71 : i32
        %mul3A_73 = arith.constant 256 : i32
        %mul3A_74 = arith.muli %sub3A_72, %mul3A_73 : i32
        %multiple_of3A = tpu.assume_multiple %mul3A_74, 256 : i32
        %lt3A_75 = arith.constant 509 : i32
        %lt3A_76 = arith.cmpi slt, %sub3A_72, %lt3A_75 : i32
        %convert_element_type3A_77 = arith.extui %lt3A_76 : i1 to i32
        %cond3A_78 = arith.constant 0 : i32
        %cond3A_79 = arith.cmpi ne, %convert_element_type3A_77, %cond3A_78 : i32
        scf.if %cond3A_79 {
          "tpu.region"() ({
            %run_scoped3A = tpu.sem_alloc : memref<!tpu.dma_semaphore, #tpu.memory_space<semaphore_mem>>
            %dma_start3A = arith.constant 0 : i32
            %dma_start3A_84 = tpu.memref_slice %arg4[%select_n3A, %multiple_of3A, %dma_start3A] : memref<4x130305x64xf32, #tpu.memory_space<hbm>> -> memref<1x256x64xf32, #tpu.memory_space<hbm>>
            %dma_start3A_85 = tpu.memref_squeeze %dma_start3A_84 : memref<1x256x64xf32, #tpu.memory_space<hbm>> -> memref<256x64xf32, #tpu.memory_space<hbm>>
            %dma_start3A_86 = arith.constant 0 : i32
            %dma_start3A_87 = tpu.memref_slice %arg4[%select_n3A, %multiple_of3A, %dma_start3A_86] : memref<4x130305x64xf32, #tpu.memory_space<hbm>> -> memref<1x256x64xf32, #tpu.memory_space<hbm>>
            %dma_start3A_88 = tpu.memref_squeeze %dma_start3A_87 : memref<1x256x64xf32, #tpu.memory_space<hbm>> -> memref<256x64xf32, #tpu.memory_space<hbm>>
            tpu.enqueue_dma source(%arg9 : memref<256x64xf32, #tpu.memory_space<vmem>>) target(%dma_start3A_88 : memref<256x64xf32, #tpu.memory_space<hbm>>) target_semaphore(%run_scoped3A : memref<!tpu.dma_semaphore, #tpu.memory_space<semaphore_mem>>)
            %dma_wait3A_89 = arith.constant 0 : i32
            %dma_wait3A_90 = tpu.memref_slice %arg4[%select_n3A, %multiple_of3A, %dma_wait3A_89] : memref<4x130305x64xf32, #tpu.memory_space<hbm>> -> memref<1x256x64xf32, #tpu.memory_space<hbm>>
            %dma_wait3A_91 = tpu.memref_squeeze %dma_wait3A_90 : memref<1x256x64xf32, #tpu.memory_space<hbm>> -> memref<256x64xf32, #tpu.memory_space<hbm>>
            %dma_wait3A_92 = arith.constant 0 : i32
            %dma_wait3A_93 = tpu.memref_slice %arg4[%select_n3A, %multiple_of3A, %dma_wait3A_92] : memref<4x130305x64xf32, #tpu.memory_space<hbm>> -> memref<1x256x64xf32, #tpu.memory_space<hbm>>
            %dma_wait3A_94 = tpu.memref_squeeze %dma_wait3A_93 : memref<1x256x64xf32, #tpu.memory_space<hbm>> -> memref<256x64xf32, #tpu.memory_space<hbm>>
            tpu.wait_dma2 semaphore(%run_scoped3A : memref<!tpu.dma_semaphore, #tpu.memory_space<semaphore_mem>>) src(%arg9 : memref<256x64xf32, #tpu.memory_space<vmem>>) dst(%dma_wait3A_94 : memref<256x64xf32, #tpu.memory_space<hbm>>)
            tpu.yield
          }) : () -> ()
        } else {
        }
        %eq3A = arith.constant 509 : i32
        %eq3A_80 = arith.cmpi eq, %sub3A_72, %eq3A : i32
        %convert_element_type3A_81 = arith.extui %eq3A_80 : i1 to i32
        %cond3A_82 = arith.constant 0 : i32
        %cond3A_83 = arith.cmpi ne, %convert_element_type3A_81, %cond3A_82 : i32
        scf.if %cond3A_83 {
          "tpu.region"() ({
            %run_scoped3A = tpu.sem_alloc : memref<!tpu.dma_semaphore, #tpu.memory_space<semaphore_mem>>
            %dma_start3A = arith.constant 0 : i32
            %dma_start3A_84 = arith.constant 0 : i32
            %dma_start3A_85 = tpu.memref_slice %arg9[%dma_start3A, %dma_start3A_84] : memref<256x64xf32, #tpu.memory_space<vmem>> -> memref<1x64xf32, #tpu.memory_space<vmem>>
            %dma_start3A_86 = arith.constant 130304 : i32
            %dma_start3A_87 = arith.constant 0 : i32
            %dma_start3A_88 = tpu.memref_slice %arg4[%select_n3A, %dma_start3A_86, %dma_start3A_87] : memref<4x130305x64xf32, #tpu.memory_space<hbm>> -> memref<1x1x64xf32, #tpu.memory_space<hbm>>
            %dma_start3A_89 = tpu.memref_squeeze %dma_start3A_88 : memref<1x1x64xf32, #tpu.memory_space<hbm>> -> memref<1x64xf32, #tpu.memory_space<hbm>>
            %dma_start3A_90 = arith.constant 130304 : i32
            %dma_start3A_91 = arith.constant 0 : i32
            %dma_start3A_92 = tpu.memref_slice %arg4[%select_n3A, %dma_start3A_90, %dma_start3A_91] : memref<4x130305x64xf32, #tpu.memory_space<hbm>> -> memref<1x1x64xf32, #tpu.memory_space<hbm>>
            %dma_start3A_93 = tpu.memref_squeeze %dma_start3A_92 : memref<1x1x64xf32, #tpu.memory_space<hbm>> -> memref<1x64xf32, #tpu.memory_space<hbm>>
            %dma_start3A_94 = arith.constant 0 : i32
            %dma_start3A_95 = arith.constant 0 : i32
            %dma_start3A_96 = tpu.memref_slice %arg9[%dma_start3A_94, %dma_start3A_95] : memref<256x64xf32, #tpu.memory_space<vmem>> -> memref<1x64xf32, #tpu.memory_space<vmem>>
            tpu.enqueue_dma source(%dma_start3A_96 : memref<1x64xf32, #tpu.memory_space<vmem>>) target(%dma_start3A_93 : memref<1x64xf32, #tpu.memory_space<hbm>>) target_semaphore(%run_scoped3A : memref<!tpu.dma_semaphore, #tpu.memory_space<semaphore_mem>>)
            %dma_wait3A_97 = arith.constant 0 : i32
            %dma_wait3A_98 = arith.constant 0 : i32
            %dma_wait3A_99 = tpu.memref_slice %arg9[%dma_wait3A_97, %dma_wait3A_98] : memref<256x64xf32, #tpu.memory_space<vmem>> -> memref<1x64xf32, #tpu.memory_space<vmem>>
            %dma_wait3A_100 = arith.constant 130304 : i32
            %dma_wait3A_101 = arith.constant 0 : i32
            %dma_wait3A_102 = tpu.memref_slice %arg4[%select_n3A, %dma_wait3A_100, %dma_wait3A_101] : memref<4x130305x64xf32, #tpu.memory_space<hbm>> -> memref<1x1x64xf32, #tpu.memory_space<hbm>>
            %dma_wait3A_103 = tpu.memref_squeeze %dma_wait3A_102 : memref<1x1x64xf32, #tpu.memory_space<hbm>> -> memref<1x64xf32, #tpu.memory_space<hbm>>
            %dma_wait3A_104 = arith.constant 130304 : i32
            %dma_wait3A_105 = arith.constant 0 : i32
            %dma_wait3A_106 = tpu.memref_slice %arg4[%select_n3A, %dma_wait3A_104, %dma_wait3A_105] : memref<4x130305x64xf32, #tpu.memory_space<hbm>> -> memref<1x1x64xf32, #tpu.memory_space<hbm>>
            %dma_wait3A_107 = tpu.memref_squeeze %dma_wait3A_106 : memref<1x1x64xf32, #tpu.memory_space<hbm>> -> memref<1x64xf32, #tpu.memory_space<hbm>>
            %dma_wait3A_108 = arith.constant 0 : i32
            %dma_wait3A_109 = arith.constant 0 : i32
            %dma_wait3A_110 = tpu.memref_slice %arg9[%dma_wait3A_108, %dma_wait3A_109] : memref<256x64xf32, #tpu.memory_space<vmem>> -> memref<1x64xf32, #tpu.memory_space<vmem>>
            tpu.wait_dma2 semaphore(%run_scoped3A : memref<!tpu.dma_semaphore, #tpu.memory_space<semaphore_mem>>) src(%dma_wait3A_110 : memref<1x64xf32, #tpu.memory_space<vmem>>) dst(%dma_wait3A_107 : memref<1x64xf32, #tpu.memory_space<hbm>>)
            tpu.yield
          }) : () -> ()
        } else {
        }
      } else {
      }
    }
    %scan3A_7 = arith.constant 32 : i32
    return
  }
}

</mosaic_0001>

<sc_bundles>
// kernel: kernel.3.cloned.1.call-start
scs
__scs_entry_jumppad:
0x0: {  	(pc) =	sbr.rel $0x88, $3  }
0x1: {  	(tag) =	ssettag $0x0;
	lr =	simm.s32 $0x1  }
0x2: {  	[smem:$0x3F9F] =	sst lr;
	_ =	strace $0xD0000000  }
0x3: {  	_ = 	snop  }
0x4: {  	_ = 	snop  }
0x5: {  	_ = 	snop  }
0x6: {  	_ = 	snop  }
0x7: {  	_ = 	snop  }
__scs_overlays_trampoline_lowered:
0x8: {  	[smem:$0x3FAE] =	sst s0  }
0x9: {  	[smem:$0x3FAF] =	sst s1  }
0xa: {  	[smem:$0x3FB0] =	sst s2  }
0xb: {  	[smem:$0x3FB1] =	sst s3  }
0xc: {  	[smem:$0x3FB2] =	sst s4  }
0xd: {  	[smem:$0x3FB3] =	sst s5  }
0xe: {  	[smem:$0x3FB4] =	sst s6  }
0xf: {  	[smem:$0x3FB5] =	sst s7  }
0x10: {  	[smem:$0x3FB6] =	sst s8  }
0x11: {  	[smem:$0x3FB7] =	sst s9;
	s0 =	simm.s32 @!p0 $0x0  }
0x12: {  	s1 =	sld [smem:$0x3F9D];
	s0 =	simm.s32 @p0 $0x1  }
0x13: {  	[smem:$0x3FB8] =	sst s0;
	s0 =	simm.s32 @!p1 $0x0  }
0x14: {  	s2 =	sld [smem:$0x3F9C];
	s0 =	simm.s32 @p1 $0x1  }
0x15: {  	[smem:$0x3FB9] =	sst s0;
	s0 =	simm.s32 @!p2 $0x0  }
0x16: {  	s3 =	sld [smem:$0x3FDB];
	s0 =	simm.s32 @p2 $0x1  }
0x17: {  	s4 =	simm.s32 $0x1BF5;
	[smem:$0x3FBB] =	sst s0  }
0x18: {  	s0 =	sld [smem:$0x3F9E];
	_ =	swait.ge [sflag:s4], $0x0  }
0x19: {  	s7 =	sld [smem:$0x3F9F]  }
0x1a: {  	s8 =	sadd.s32 $0xFFFFE003, lr  }
0x1b: {  	s9 =	sadd.s32 $0xFFFFFEF7, lr;
	s5 =	simm.s32 $0xFFFFFFFF;
	p2 =	slt.u32 s8, $0xFFFFF086  }
0x1c: {  	p1 =	slt.u32 s9, $0xF7A;
	s5 =	simm.s32 @!p2 $0x0  }
0x1d: {  	s5 =	simm.s32 @p1 $0x1;
	p0 =	seq.s32 s7, s2  }
0x1e: {  	s7 =	smul.u32 @!p0 $0xF7A, s2;
	p2 =	seq.s32 @!p0 s5, $0x0  }
0x1f: {  	s9 =	smul.u32 $0xF7A, s1;
	s8 =	simm.s32 @!p0 $0x1BF5;
	p2 =	por !p2, p0  }
0x20: {  	[sflag:s8] =	ssyncset.s32 @!p0 $0xFFFFF086;
	s6 =	sadd.s32 @!p0 s3, s7;
	s7 =	simm.s32 @!p0 $0x108  }
0x21: {  	s3 =	sadd.s32 s3, s9;
	s6 =	sadd.s32 @!p0 $0x88, s6;
	s7 =	simm.s32 @p2 $0x1082  }
0x22: {  	[simem:s7], [sflag:s8] =	dma.local @!p0 [hbm:s6], $0xF7A  }
0x23: {  	s9 =	sor.u32 $0xD0000000, s2;
	s6 =	simm.s32 $0x108;
	_ =	swait.ge @!p0 [sflag:s8], $0x0  }
0x24: {  	s3 =	sadd.s32 $0x88, s3;
	s6 =	simm.s32 @!p1 $0x1082;
	[sflag:s4] =	ssyncset.s32 $0xFFFFF086  }
0x25: {  	[simem:s6], [sflag:s4] =	dma.local [hbm:s3], $0xF7A  }
0x26: {  	[smem:$0x3F9F] =	sst s1;
	(tag) =	ssettag s2;
	_ =	strace s9  }
0x27: {  	s1 =	sld [smem:$0x3FAF]  }
0x28: {  	s2 =	sld [smem:$0x3FB0]  }
0x29: {  	s4 =	sld [smem:$0x3FB2]  }
0x2a: {  	p0 =	seq.s32 s5, $0x0;
	s5 =	sld [smem:$0x3FB3]  }
0x2b: {  	s6 =	sld [smem:$0x3FB4]  }
0x2c: {  	s7 =	sld [smem:$0x3FB5]  }
0x2d: {  	s3 =	simm.s32 $0x108;
	s8 =	sld [smem:$0x3FB6]  }
0x2e: {  	s3 =	simm.s32 @!p0 $0x1082;
	s9 =	sld [smem:$0x3FB7]  }
0x2f: {  	lr =	sadd.s32 s0, s3;
	s0 =	sld [smem:$0x3FAE]  }
0x30: {  	s3 =	sld [smem:$0x3FB1]  }
0x31: {  	[smem:$0x3FBA] =	sst s10  }
0x32: {  	s10 =	sld [smem:$0x3FB8];
	_ =	sdelay $0x3  }
0x33: {  	p0 =	seq.s32 s10, $0x1;
	s10 =	sld [smem:$0x3FBA];
	_ =	sdelay $0x3  }
0x34: {  	[smem:$0x3FBA] =	sst s10  }
0x35: {  	s10 =	sld [smem:$0x3FB9];
	_ =	sdelay $0x3  }
0x36: {  	p1 =	seq.s32 s10, $0x1;
	s10 =	sld [smem:$0x3FBA];
	_ =	sdelay $0x3  }
0x37: {  	[smem:$0x3FBA] =	sst s10  }
0x38: {  	s10 =	sld [smem:$0x3FBB]  }
0x39: {  	_ = 	snop;
	(pc) =	sbr.ind lr, $3  }
0x3a: {  	_ = 	snop  }
0x3b: {  	_ = 	snop  }
0x3c: {  	p2 =	seq.s32 s10, $0x1;
	s10 =	sld [smem:$0x3FBA]  }
0x3d: {  	_ =	shalt  }
0x3e: {  	_ =	shalt  }
0x3f: {  	_ =	shalt  }
0x40: {  	_ =	shalt  }
0x41: {  	_ =	shalt  }
0x42: {  	_ =	shalt  }
0x43: {  	_ =	shalt  }
0x44: {  	_ =	shalt  }
0x45: {  	_ =	shalt  }
0x46: {  	_ =	shalt  }
0x47: {  	_ =	shalt  }
0x48: {  	_ =	shalt  }
0x49: {  	_ =	shalt  }
0x4a: {  	_ =	shalt  }
0x4b: {  	_ =	shalt  }
0x4c: {  	_ =	shalt  }
0x4d: {  	_ =	shalt  }
0x4e: {  	_ =	shalt  }
0x4f: {  	_ =	shalt  }
0x50: {  	_ =	shalt  }
0x51: {  	_ =	shalt  }
0x52: {  	_ =	shalt  }
0x53: {  	_ =	shalt  }
0x54: {  	_ =	shalt  }
0x55: {  	_ =	shalt  }
0x56: {  	_ =	shalt  }
0x57: {  	_ =	shalt  }
0x58: {  	_ =	shalt  }
0x59: {  	_ =	shalt  }
0x5a: {  	_ =	shalt  }
0x5b: {  	_ =	shalt  }
0x5c: {  	_ =	shalt  }
0x5d: {  	_ =	shalt  }
0x5e: {  	_ =	shalt  }
0x5f: {  	_ =	shalt  }
0x60: {  	_ =	shalt  }
0x61: {  	_ =	shalt  }
0x62: {  	_ =	shalt  }
0x63: {  	_ =	shalt  }
0x64: {  	_ =	shalt  }
0x65: {  	_ =	shalt  }
0x66: {  	_ =	shalt  }
0x67: {  	_ =	shalt  }
0x68: {  	_ =	shalt  }
0x69: {  	_ =	shalt  }
0x6a: {  	_ =	shalt  }
0x6b: {  	_ =	shalt  }
0x6c: {  	_ =	shalt  }
0x6d: {  	_ =	shalt  }
0x6e: {  	_ =	shalt  }
0x6f: {  	_ =	shalt  }
0x70: {  	_ =	shalt  }
0x71: {  	_ =	shalt  }
0x72: {  	_ =	shalt  }
0x73: {  	_ =	shalt  }
0x74: {  	_ =	shalt  }
0x75: {  	_ =	shalt  }
0x76: {  	_ =	shalt  }
0x77: {  	_ =	shalt  }
0x78: {  	_ =	shalt  }
0x79: {  	_ =	shalt  }
0x7a: {  	_ =	shalt  }
0x7b: {  	_ =	shalt  }
0x7c: {  	_ =	shalt  }
0x7d: {  	_ =	shalt  }
0x7e: {  	_ =	shalt  }
0x7f: {  	_ =	shalt  }
0x80: {  	_ =	shalt  }
0x81: {  	_ =	shalt  }
0x82: {  	_ =	shalt  }
0x83: {  	_ =	shalt  }
0x84: {  	_ =	shalt  }
0x85: {  	_ =	shalt  }
0x86: {  	_ =	shalt  }
0x87: {  	_ =	shalt  }
.Lfunc_end0:
.L_simem_size_0:
called_computation_lowered:
.L_overlay_start_0:
0x88: {  	s2 =	sld [smem:$0x3FD9]  }
0x89: {  	s3 =	sld [smem:$0x3FFE];
	_ =	sdelay $0x1  }
0x8a: {  	s1 =	srdreg.scid  }
0x8b: {  	s0 =	sand.u32 $0x1, s1  }
0x8c: {  	s17 =	sshll.u32 s0, $0xA;
	s2 =	sadd.s32 s3, s2  }
0x8d: {  	s2 =	sadd.s32 s2, s17  }
0x8e: {  	[smem:$0x3FC6] =	sst s2  }
0x8f: {  	_ = 	snop  }
0x90: {  	s2 =	sld [smem:$0x3FD0];
	(tm) =	ssettm $0x1  }
0x91: {  	s18 =	sld [smem:$0x3FFB];
	_ =	sdelay $0x3  }
0x92: {  	_ =	strace s18  }
0x93: {  	s3 =	sld [smem:$0x3FFC];
	_ =	sdelay $0x3  }
0x94: {  	_ =	strace s3  }
0x95: {  	s3 =	sld [smem:$0x3FFD];
	_ =	sdelay $0x3  }
0x96: {  	_ =	strace s3  }
0x97: {  	_ =	strace $0x8FFFFFFF  }
0x98: {  	s19 =	sld [smem:$0x3FDB];
	_ =	sdelay $0x1  }
0x99: {  	s4 =	simm.s32 $_scs_section_size  }
0x9a: {  	s5 =	simm.s32 $_size__tile_overlayer_lowered;
	s6 =	simm.s32 $_tile_overlayer_lowered  }
0x9b: {  	s22 =	simm.s32 $0x1BFF;
	s21 =	sshll.u32 s6, $0x1;
	s3 =	sadd.s32 s4, s19  }
0x9c: {  	s7 =	simm.s32 $0x0;
	s20 =	sshll.u32 s5, $0x1;
	s5 =	sadd.s32 s21, s3  }
0x9d: {  	[timem:s7], [sflag:s22] =	dma.local [hbm:s5], s20  }
0x9e: {  	_ =	swait.ge [sflag:s22], s20  }
0x9f: {  	s4 =	ssub.s32 $0x0, s20;
	[sflag:s22] =	ssyncset.done $0x0  }
0xa0: {  	[sflag:s22] =	ssyncadd.s32 s4;
	_ =	sdelay $0x1  }
0xa1: {  	s23 =	simm.s32 $0x1B8B  }
0xa2: {  	_ =	swait.ge [sflag:s23], $0x1  }
0xa3: {  	[sflag:s23] =	ssyncset.done $0x0  }
0xa4: {  	s25 =	simm.s32 $0x1B8E;
	s24 =	sld [smem:$0x3FFE];
	[sflag:s23] =	ssyncadd.s32 $0xFFFFFFFF  }
0xa5: {  	s26 =	simm.s32 $execute0_lowered;
	[smem:$0x3FD2] =	sst s25  }
0xa6: {  	s5 =	sshll.u32 s26, $0x1;
	_ =	strace $0x80000046;
	[dreg:$0x1] =	wrdreg $0xFFFFFFFF  }
0xa7: {  	s28 =	simm.s32 $_size_execute0_lowered;
	s3 =	sadd.s32 s3, s5;
	[dreg:$0x0] =	wrdreg $0x0  }
0xa8: {  	s5 =	sshll.u32 s28, $0x1;
	[dreg:$0x2] =	wrdreg s3  }
0xa9: {  	[dreg:$0x3] =	wrdreg s5  }
0xaa: {  	[dreg:$0x4] =	wrdreg $0xC0  }
0xab: {  	_ =	task [dreg:s7], $0x5FFFF  }
0xac: {  	[dreg:$0x1] =	wrdreg $0xFFFFFFFF  }
0xad: {  	[dreg:$0x0] =	wrdreg $0x60  }
0xae: {  	[dreg:$0x2] =	wrdreg s24  }
0xaf: {  	[dreg:$0x3] =	wrdreg s2  }
0xb0: {  	[dreg:$0x4] =	wrdreg $0x9  }
0xb1: {  	_ =	task.clear_ibuf [dreg:s7], $0x5FFFF;
	_ =	strace $0x90000046  }
0xb2: {  	s29 =	simm.s32 $0x9;
	_ =	strace $0x80000048  }
0xb3: {  	_ =	swait.ge [sflag:s29], $0x1  }
0xb4: {  	[sflag:s29] =	ssyncadd.s32 $0xFFFFFFFF  }
0xb5: {  	_ =	strace $0x90000048  }
0xb6: {  	_ =	sfence  }
0xb7: {  	s30 =	sld [smem:$0x0];
	_ =	sdelay $0x2  }
0xb8: {  	s31 =	sshll.u32 s1, $0xD;
	s1 =	sshrl.u32 s1, $0x2  }
0xb9: {  	s3 =	sand.u32 $0x4000, s31;
	s1 =	sadd.s32 s1, s30  }
0xba: {  	s0 =	sor.u32 s3, s0;
	s1 =	sshll.u32 s1, $0x11  }
0xbb: {  	s0 =	sor.u32 s1, s0  }
0xbc: {  	s0 =	sadd.s32 $0x8F2B, s0  }
0xbd: {  	[sflag:s0] =	ssyncadd.remote.s32 $0x1  }
0xbe: {  	_ =	sfence.sel $0xFFFF  }
0xbf: {  	[dreg:$0x0] =	wrdreg $0xFFFFFFFF;
	(pc) =	sbr.abs _section_cstart, $3  }
0xc0: {  	[dreg:$0x1] =	wrdreg $0xFFFFFFFF  }
0xc1: {  	_ =	task.clear_ibuf [dreg:s7], $0x2FFFF;
	_ =	strace $0x9FFFFFFF  }
0xc2: {  	(tm) =	ssettm $0x7FFFFFFF  }
0xc3: {  	_ =	shalt  }
tec
execute0_lowered:
.L_overlay_start_1:
0x0: {  	(tag) =	ssettag $0x1  }
0x1: {  	s6 =	rddreg [dreg:$0x0]  }
0x2: {  	s2 =	rddreg [dreg:$0x1]  }
0x3: {  	s0 =	rddreg [dreg:$0x2];
	s3 =	simm.s32 $0x0  }
0x4: {  	s4 =	srdreg.scid;
	s1 =	stileid.u32;
	s10 =	simm.s32 $0x80  }
0x5: {  	s11 =	simm.s32 $0x200;
	s12 =	simm.s32 $0x4200;
	s13 =	simm.s32 $0x1  }
0x6: {  	s14 =	simm.s32 $0x4;
	s15 =	simm.s32 $0x2;
	s16 =	simm.s32 $0x0  }
.Ltmp0:
0x7: {  	[smem:$0x7FF] =	sst s3;
	s4 =	sand.u32 $0x1, s4;
	(pc) =	sbr.rel .LBB2_1-.Ltmp0, $4  }
0x8: {  	s5 =	sshll.u32 s1, $0x1;
	_ =	strace $0x80000047;
	s7 =	ssub.s32 $0x2, s4  }
0x9: {  	s4 =	sor.u32 s4, s5;
	s5 =	sadd.s32 $0x7F4A00, s6;
	s8 =	sshrl.u32 s7, $0x1  }
0xa: {  	s6 =	sadd.s32 $0x800, s6;
	s9 =	sshll.u32 s4, $0x5;
	s8 =	ssub.s32 s7, s8  }
0xb: {  	s7 =	sadd.s32 s2, s9;
	s9 =	simm.s32 $0x3;
	s8 =	smax.u32 s8, $0x1  }
.LBB2_11:
0xc: {  	s16 =	sadd.s32 $0x1, s16  }
0xd: {  	p0 =	sne.s32 s16, s8  }
.Ltmp1:
0xe: {  	_ = 	snop;
	(pc) =	sbr.rel @!p0 .LBB2_12-.Ltmp1, $1  }
0xf: {  	_ =	sdelay $0x3  }
.LBB2_1:
0x10: {  	[tilespmem:s3], [sflag:$0x3] =	stream.linear.gather [hbm4b:s7+s3], $0x100, $0x38;
	[tilespmem:$0x18200] =	vst v63  }
0x11: {  	_ =	swait.ge [sflag:s9], $0x100  }
.Ltmp2:
0x12: {  	[sflag:s9] =	ssyncset.done $0x0;
	(pc) =	sbr.rel .LBB2_2-.Ltmp2, $4  }
0x13: {  	[sflag:s9] =	ssyncadd.s32 $0xFFFFFF00  }
0x14: {  	[tilespmem:s11], [sflag:$0x1] =	stream.indirect.gather [hbm4b:s5+s10], $0x80, s3, s10, $0xb8;
	[tilespmem:$0x18200] =	vst v63  }
0x15: {  	s17 =	simm.s32 $0x0  }
0x16: {  	[tilespmem:s12], [sflag:$0x1] =	stream.indirect.gather [hbm4b:s5+s10], $0x80, s10, s10, $0xb8;
	[tilespmem:$0x18200] =	vst v63  }
.LBB2_10:
0x17: {  	s17 =	sadd.s32 $0x1, s17  }
0x18: {  	p0 =	sne.s32 s17, $0x20  }
.Ltmp3:
0x19: {  	_ = 	snop;
	(pc) =	sbr.rel @!p0 .LBB2_11-.Ltmp3, $1  }
0x1a: {  	_ =	sdelay $0x3  }
.LBB2_2:
0x1b: {  	s18 =	sshll.u32 s17, $0x6  }
0x1c: {  	s19 =	sor.u32 s4, s18  }
0x1d: {  	s18 =	sor.u32 $0x20, s19  }
0x1e: {  	p0 =	sgt.u32 s18, $0x7F7  }
0x1f: {  	s20 =	sshll.u32 @!p0 s18, $0x5  }
0x20: {  	s21 =	simm.s32 @!p0 $0x0;
	s22 =	simm.s32 @!p0 $0x100;
	s20 =	sadd.s32 @!p0 s2, s20  }
0x21: {  	[tilespmem:s22], [sflag:$0x4] =	stream.linear.gather @!p0 [hbm4b:s20+s21], $0x100, $0x38;
	[tilespmem:$0x18200] =	vst v63  }
0x22: {  	s20 =	smul.u32 @!p0 $0x8081, s18;
	_ =	sdelay $0x1  }
0x23: {  	s21 =	simm.s32 @!p0 $0x4;
	s20 =	sshrl.u32 @!p0 s20, $0x18  }
0x24: {  	_ =	swait.ge @!p0 [sflag:s21], $0x100;
	s20 =	smul.u32 @!p0 $0x1FD080, s20  }
0x25: {  	s23 =	simm.s32 @!p0 $0x8200;
	[sflag:s21] =	ssyncset.done @!p0 $0x0  }
0x26: {  	[sflag:s21] =	ssyncadd.s32 @!p0 $0xFFFFFF00;
	s21 =	simm.s32 @!p0 $0x80;
	s20 =	sadd.s32 @!p0 s5, s20  }
0x27: {  	[tilespmem:s23], [sflag:$0x2] =	stream.indirect.gather @!p0 [hbm4b:s20+s21], $0x80, s22, s21, $0xb8;
	[tilespmem:$0x18200] =	vst v63  }
0x28: {  	s22 =	simm.s32 @!p0 $0x180;
	s23 =	simm.s32 @!p0 $0xC200  }
0x29: {  	[tilespmem:s23], [sflag:$0x2] =	stream.indirect.gather @!p0 [hbm4b:s20+s21], $0x80, s22, s21, $0xb8;
	[tilespmem:$0x18200] =	vst v63  }
0x2a: {  	_ =	swait.ge [sflag:s13], $0x8000  }
0x2b: {  	[sflag:s13] =	ssyncset.done $0x0  }
0x2c: {  	s20 =	simm.s32 $0x0;
	[sflag:s13] =	ssyncadd.s32 $0xFFFF8000  }
0x2d: {  	v0 =	vld [tilespmem:s20+$0x3B0]  }
0x2e: {  	v1 =	vld [tilespmem:s20+$0x200]  }
0x2f: {  	v2 =	vld [tilespmem:s20+$0x210]  }
0x30: {  	v3 =	vld [tilespmem:s20+$0x220]  }
0x31: {  	v4 =	vld [tilespmem:s20+$0x230]  }
0x32: {  	v5 =	vld [tilespmem:s20+$0x280];
	[tilespmem:s20+$0x103B0] =	vst v0  }
0x33: {  	[tilespmem:s20+$0x10200] =	vst v1;
	v0 =	vld [tilespmem:s20+$0x290]  }
0x34: {  	[tilespmem:s20+$0x10210] =	vst v2;
	v1 =	vld [tilespmem:s20+$0x2A0]  }
0x35: {  	[tilespmem:s20+$0x10220] =	vst v3;
	v2 =	vld [tilespmem:s20+$0x2B0]  }
0x36: {  	[tilespmem:s20+$0x10230] =	vst v4;
	v3 =	vld [tilespmem:s20+$0x300]  }
0x37: {  	[tilespmem:s20+$0x10280] =	vst v5;
	v4 =	vld [tilespmem:s20+$0x310]  }
0x38: {  	[tilespmem:s20+$0x10290] =	vst v0;
	v0 =	vld [tilespmem:s20+$0x320]  }
0x39: {  	[tilespmem:s20+$0x102A0] =	vst v1;
	v1 =	vld [tilespmem:s20+$0x330]  }
0x3a: {  	[tilespmem:s20+$0x102B0] =	vst v2;
	v2 =	vld [tilespmem:s20+$0x380]  }
0x3b: {  	[tilespmem:s20+$0x10300] =	vst v3;
	v3 =	vld [tilespmem:s20+$0x390]  }
0x3c: {  	s21 =	simm.s32 $0x200;
	s22 =	simm.s32 $0x1000;
	[tilespmem:s20+$0x10310] =	vst v4;
	v4 =	vld [tilespmem:s20+$0x3A0]  }
.LBB2_3:
0x3d: {  	p1 =	sne.s32 s22, $0x1F800;
	v5 =	vld [tilespmem:s21+$0x3B0];
	[tilespmem:s20+$0x10320] =	vst v0  }
0x3e: {  	v0 =	vld [tilespmem:s21+$0x200];
	[tilespmem:s20+$0x10330] =	vst v1  }
0x3f: {  	v1 =	vld [tilespmem:s21+$0x210];
	[tilespmem:s20+$0x10380] =	vst v2  }
0x40: {  	v2 =	vld [tilespmem:s21+$0x220];
	[tilespmem:s20+$0x10390] =	vst v3  }
0x41: {  	v3 =	vld [tilespmem:s21+$0x230];
	[tilespmem:s20+$0x103A0] =	vst v4;
	s20 =	smov.u32 s21  }
0x42: {  	v4 =	vld [tilespmem:s20+$0x280];
	[tilespmem:s20+$0x103B0] =	vst v5  }
0x43: {  	[tilespmem:s20+$0x10200] =	vst v0;
	v0 =	vld [tilespmem:s20+$0x290]  }
0x44: {  	[tilespmem:s20+$0x10210] =	vst v1;
	v1 =	vld [tilespmem:s20+$0x2A0]  }
0x45: {  	[tilespmem:s20+$0x10220] =	vst v2;
	v2 =	vld [tilespmem:s20+$0x2B0]  }
0x46: {  	[tilespmem:s20+$0x10230] =	vst v3;
	v3 =	vld [tilespmem:s20+$0x300]  }
0x47: {  	[tilespmem:s20+$0x10280] =	vst v4;
	v4 =	vld [tilespmem:s20+$0x310]  }
.Ltmp4:
0x48: {  	[tilespmem:s20+$0x10290] =	vst v0;
	v0 =	vld [tilespmem:s20+$0x320];
	(pc) =	sbr.rel @p1 .LBB2_3-.Ltmp4, $4  }
0x49: {  	[tilespmem:s20+$0x102A0] =	vst v1;
	v1 =	vld [tilespmem:s20+$0x330]  }
0x4a: {  	[tilespmem:s20+$0x102B0] =	vst v2;
	v2 =	vld [tilespmem:s20+$0x380]  }
0x4b: {  	[tilespmem:s20+$0x10300] =	vst v3;
	v3 =	vld [tilespmem:s20+$0x390]  }
0x4c: {  	s21 =	sshra.s32 s22, $0x2;
	s22 =	sadd.s32 $0x800, s22;
	[tilespmem:s20+$0x10310] =	vst v4;
	v4 =	vld [tilespmem:s20+$0x3A0]  }
0x4d: {  	v5 =	vld [tilespmem:s21+$0x3B0];
	[tilespmem:s20+$0x10320] =	vst v0  }
0x4e: {  	v0 =	vld [tilespmem:s21+$0x200];
	[tilespmem:s20+$0x10330] =	vst v1  }
0x4f: {  	v1 =	vld [tilespmem:s21+$0x210];
	[tilespmem:s20+$0x10380] =	vst v2  }
0x50: {  	v2 =	vld [tilespmem:s21+$0x220];
	[tilespmem:s20+$0x10390] =	vst v3  }
0x51: {  	v3 =	vld [tilespmem:s21+$0x230];
	[tilespmem:s20+$0x103A0] =	vst v4  }
0x52: {  	v4 =	vld [tilespmem:s21+$0x280];
	[tilespmem:s21+$0x103B0] =	vst v5  }
0x53: {  	v54 =	vld [tilespmem:s21+$0x290];
	[tilespmem:s21+$0x10200] =	vst v0  }
0x54: {  	s31 =	smulhi.u32 $0x80808081, s19;
	v55 =	vld [tilespmem:s21+$0x2A0];
	[tilespmem:s21+$0x10210] =	vst v1  }
0x55: {  	v56 =	vld [tilespmem:s21+$0x2B0];
	[tilespmem:s21+$0x10220] =	vst v2  }
0x56: {  	s20 =	sshrl.u32 s31, $0x8;
	v57 =	vld [tilespmem:s21+$0x300];
	[tilespmem:s21+$0x10230] =	vst v3  }
0x57: {  	v58 =	vld [tilespmem:s21+$0x310];
	s22 =	smul.u32 $0xFFFFFE02, s20;
	[tilespmem:s21+$0x10280] =	vst v4  }
0x58: {  	v59 =	vld [tilespmem:s21+$0x320];
	[tilespmem:s21+$0x10290] =	vst v54  }
0x59: {  	v60 =	vld [tilespmem:s21+$0x330];
	s22 =	sadd.s32 s19, s22;
	[tilespmem:s21+$0x102A0] =	vst v55  }
0x5a: {  	v61 =	vld [tilespmem:s21+$0x380];
	p1 =	sgt.s32 s22, $0x1FC;
	[tilespmem:s21+$0x102B0] =	vst v56  }
0x5b: {  	v62 =	vld [tilespmem:s21+$0x390];
	p2 =	sne.s32 @p1 s22, $0x1FD;
	[tilespmem:s21+$0x10300] =	vst v57  }
0x5c: {  	v63 =	vld [tilespmem:s21+$0x3A0];
	[tilespmem:s21+$0x10310] =	vst v58;
	p2 =	por p2, !p1  }
0x5d: {  	[tilespmem:s21+$0x10320] =	vst v59;
	s23 =	smul.u32 @!p2 $0xFE8400, s20  }
0x5e: {  	[tilespmem:s21+$0x10330] =	vst v60  }
0x5f: {  	[tilespmem:s21+$0x10380] =	vst v61;
	s23 =	sshrl.u32 @!p2 s23, $0x3  }
0x60: {  	s22 =	sshll.u32 @!p1 s22, $0xF;
	[tilespmem:s21+$0x10390] =	vst v62;
	s24 =	simm.s32 @!p2 $0x10200;
	s23 =	sadd.s32 @!p2 s6, s23  }
0x61: {  	[tilespmem:s21+$0x103A0] =	vst v63;
	s20 =	smul.u32 @!p1 $0xFE8400, s20;
	s21 =	sadd.s32 @!p2 $0x1FD000, s23;
	s23 =	simm.s32 @!p2 $0x0  }
0x62: {  	[hbm4b:s21+s23] =	stream.linear.scatter @!p2 [tilespmem:s24], [sflag:$0x4], $0x80, $0x38;
	[tilespmem:$0x18200] =	vst v63  }
0x63: {  	s20 =	sadd.s32 @!p1 s20, s22;
	s21 =	simm.s32 @!p2 $0x4  }
0x64: {  	s20 =	sshrl.u32 @!p1 s20, $0x3;
	_ =	swait.ge @!p2 [sflag:s21], $0x80  }
0x65: {  	s22 =	simm.s32 @!p1 $0x10200;
	s20 =	sadd.s32 @!p1 s6, s20;
	[sflag:s21] =	ssyncset.done @!p2 $0x0  }
0x66: {  	[sflag:s21] =	ssyncadd.s32 @!p2 $0xFFFFFF80;
	s21 =	simm.s32 @!p1 $0x0;
	p2 =	sgt.u32 s19, $0x7B7  }
0x67: {  	[hbm4b:s20+s21] =	stream.linear.scatter @!p1 [tilespmem:s22], [sflag:$0x4], $0x8000, $0x38;
	[tilespmem:$0x18200] =	vst v63  }
.Ltmp5:
0x68: {  	_ = 	snop;
	(pc) =	sbr.rel @p2 .LBB2_6-.Ltmp5, $4  }
0x69: {  	s20 =	simm.s32 @!p1 $0x4  }
0x6a: {  	_ =	swait.ge @!p1 [sflag:s20], $0x8000  }
0x6b: {  	[sflag:s20] =	ssyncset.done @!p1 $0x0  }
0x6c: {  	[sflag:s20] =	ssyncadd.s32 @!p1 $0xFFFF8000  }
0x6d: {  	s19 =	sadd.s32 $0x40, s19  }
0x6e: {  	s20 =	sshll.u32 s19, $0x5  }
0x6f: {  	s19 =	smul.u32 $0x8081, s19;
	s20 =	sadd.s32 s2, s20  }
0x70: {  	[tilespmem:s3], [sflag:$0x4] =	stream.linear.gather [hbm4b:s20+s3], $0x100, $0x38;
	[tilespmem:$0x18200] =	vst v63  }
0x71: {  	s19 =	sshrl.u32 s19, $0x18  }
0x72: {  	_ =	swait.ge [sflag:s14], $0x100;
	s19 =	smul.u32 $0x1FD080, s19  }
.Ltmp6:
0x73: {  	[sflag:s14] =	ssyncset.done $0x0;
	(pc) =	sbr.rel .LBB2_7-.Ltmp6, $4  }
0x74: {  	[sflag:s14] =	ssyncadd.s32 $0xFFFFFF00;
	s19 =	sadd.s32 s5, s19  }
0x75: {  	[tilespmem:s11], [sflag:$0x1] =	stream.indirect.gather [hbm4b:s19+s10], $0x80, s3, s10, $0xb8;
	[tilespmem:$0x18200] =	vst v63  }
0x76: {  	_ = 	snop  }
0x77: {  	[tilespmem:s12], [sflag:$0x1] =	stream.indirect.gather [hbm4b:s19+s10], $0x80, s10, s10, $0xb8;
	[tilespmem:$0x18200] =	vst v63  }
.LBB2_6:
.Ltmp7:
0x78: {  	(pc) =	sbr.rel @p0 .LBB2_10-.Ltmp7, $1  }
0x79: {  	_ =	sdelay $0x3  }
.LBB2_7:
0x7a: {  	_ =	swait.ge [sflag:s15], $0x8000  }
0x7b: {  	[sflag:s15] =	ssyncset.done $0x0  }
0x7c: {  	s19 =	simm.s32 $0x0;
	[sflag:s15] =	ssyncadd.s32 $0xFFFF8000  }
0x7d: {  	v0 =	vld [tilespmem:s19+$0x83B0]  }
0x7e: {  	v1 =	vld [tilespmem:s19+$0x8200]  }
0x7f: {  	v2 =	vld [tilespmem:s19+$0x8210]  }
0x80: {  	v3 =	vld [tilespmem:s19+$0x8220]  }
0x81: {  	v4 =	vld [tilespmem:s19+$0x8230]  }
0x82: {  	v5 =	vld [tilespmem:s19+$0x8280];
	[tilespmem:s19+$0x103B0] =	vst v0  }
0x83: {  	[tilespmem:s19+$0x10200] =	vst v1;
	v0 =	vld [tilespmem:s19+$0x8290]  }
0x84: {  	[tilespmem:s19+$0x10210] =	vst v2;
	v1 =	vld [tilespmem:s19+$0x82A0]  }
0x85: {  	[tilespmem:s19+$0x10220] =	vst v3;
	v2 =	vld [tilespmem:s19+$0x82B0]  }
0x86: {  	[tilespmem:s19+$0x10230] =	vst v4;
	v3 =	vld [tilespmem:s19+$0x8300]  }
0x87: {  	[tilespmem:s19+$0x10280] =	vst v5;
	v4 =	vld [tilespmem:s19+$0x8310]  }
0x88: {  	[tilespmem:s19+$0x10290] =	vst v0;
	v0 =	vld [tilespmem:s19+$0x8320]  }
0x89: {  	[tilespmem:s19+$0x102A0] =	vst v1;
	v1 =	vld [tilespmem:s19+$0x8330]  }
0x8a: {  	[tilespmem:s19+$0x102B0] =	vst v2;
	v2 =	vld [tilespmem:s19+$0x8380]  }
0x8b: {  	[tilespmem:s19+$0x10300] =	vst v3;
	v3 =	vld [tilespmem:s19+$0x8390]  }
0x8c: {  	s20 =	simm.s32 $0x200;
	s21 =	simm.s32 $0x1000;
	[tilespmem:s19+$0x10310] =	vst v4;
	v4 =	vld [tilespmem:s19+$0x83A0]  }
.LBB2_8:
0x8d: {  	p0 =	sne.s32 s21, $0x1F800;
	v5 =	vld [tilespmem:s20+$0x83B0];
	[tilespmem:s19+$0x10320] =	vst v0  }
0x8e: {  	v0 =	vld [tilespmem:s20+$0x8200];
	[tilespmem:s19+$0x10330] =	vst v1  }
0x8f: {  	v1 =	vld [tilespmem:s20+$0x8210];
	[tilespmem:s19+$0x10380] =	vst v2  }
0x90: {  	v2 =	vld [tilespmem:s20+$0x8220];
	[tilespmem:s19+$0x10390] =	vst v3  }
0x91: {  	v3 =	vld [tilespmem:s20+$0x8230];
	[tilespmem:s19+$0x103A0] =	vst v4;
	s19 =	smov.u32 s20  }
0x92: {  	v4 =	vld [tilespmem:s19+$0x8280];
	[tilespmem:s19+$0x103B0] =	vst v5  }
0x93: {  	[tilespmem:s19+$0x10200] =	vst v0;
	v0 =	vld [tilespmem:s19+$0x8290]  }
0x94: {  	[tilespmem:s19+$0x10210] =	vst v1;
	v1 =	vld [tilespmem:s19+$0x82A0]  }
0x95: {  	[tilespmem:s19+$0x10220] =	vst v2;
	v2 =	vld [tilespmem:s19+$0x82B0]  }
0x96: {  	[tilespmem:s19+$0x10230] =	vst v3;
	v3 =	vld [tilespmem:s19+$0x8300]  }
0x97: {  	[tilespmem:s19+$0x10280] =	vst v4;
	v4 =	vld [tilespmem:s19+$0x8310]  }
.Ltmp8:
0x98: {  	[tilespmem:s19+$0x10290] =	vst v0;
	v0 =	vld [tilespmem:s19+$0x8320];
	(pc) =	sbr.rel @p0 .LBB2_8-.Ltmp8, $4  }
0x99: {  	[tilespmem:s19+$0x102A0] =	vst v1;
	v1 =	vld [tilespmem:s19+$0x8330]  }
0x9a: {  	[tilespmem:s19+$0x102B0] =	vst v2;
	v2 =	vld [tilespmem:s19+$0x8380]  }
0x9b: {  	[tilespmem:s19+$0x10300] =	vst v3;
	v3 =	vld [tilespmem:s19+$0x8390]  }
0x9c: {  	s20 =	sshra.s32 s21, $0x2;
	s21 =	sadd.s32 $0x800, s21;
	[tilespmem:s19+$0x10310] =	vst v4;
	v4 =	vld [tilespmem:s19+$0x83A0]  }
0x9d: {  	v5 =	vld [tilespmem:s20+$0x83B0];
	[tilespmem:s19+$0x10320] =	vst v0  }
0x9e: {  	v0 =	vld [tilespmem:s20+$0x8200];
	[tilespmem:s19+$0x10330] =	vst v1  }
0x9f: {  	v1 =	vld [tilespmem:s20+$0x8210];
	[tilespmem:s19+$0x10380] =	vst v2  }
0xa0: {  	v2 =	vld [tilespmem:s20+$0x8220];
	[tilespmem:s19+$0x10390] =	vst v3  }
0xa1: {  	v3 =	vld [tilespmem:s20+$0x8230];
	[tilespmem:s19+$0x103A0] =	vst v4  }
0xa2: {  	v4 =	vld [tilespmem:s20+$0x8280];
	[tilespmem:s20+$0x103B0] =	vst v5  }
0xa3: {  	s31 =	sand.u32 $0xFFFF, s18;
	v54 =	vld [tilespmem:s20+$0x8290];
	[tilespmem:s20+$0x10200] =	vst v0  }
0xa4: {  	s19 =	smul.u32 $0x8081, s31;
	v55 =	vld [tilespmem:s20+$0x82A0];
	[tilespmem:s20+$0x10210] =	vst v1  }
0xa5: {  	v56 =	vld [tilespmem:s20+$0x82B0];
	[tilespmem:s20+$0x10220] =	vst v2  }
0xa6: {  	v57 =	vld [tilespmem:s20+$0x8300];
	s19 =	sshrl.u32 s19, $0x18;
	[tilespmem:s20+$0x10230] =	vst v3  }
0xa7: {  	v58 =	vld [tilespmem:s20+$0x8310];
	s21 =	smul.u32 $0xFFFFFE02, s19;
	[tilespmem:s20+$0x10280] =	vst v4  }
0xa8: {  	v59 =	vld [tilespmem:s20+$0x8320];
	[tilespmem:s20+$0x10290] =	vst v54  }
0xa9: {  	v60 =	vld [tilespmem:s20+$0x8330];
	s18 =	sadd.s32 s18, s21;
	[tilespmem:s20+$0x102A0] =	vst v55  }
0xaa: {  	v61 =	vld [tilespmem:s20+$0x8380];
	[tilespmem:s20+$0x102B0] =	vst v56;
	p0 =	sgt.s32 s18, $0x1FC  }
0xab: {  	v62 =	vld [tilespmem:s20+$0x8390];
	[tilespmem:s20+$0x10300] =	vst v57;
	p1 =	sne.s32 @p0 s18, $0x1FD  }
0xac: {  	v63 =	vld [tilespmem:s20+$0x83A0];
	[tilespmem:s20+$0x10310] =	vst v58;
	p1 =	por p1, !p0  }
0xad: {  	[tilespmem:s20+$0x10320] =	vst v59;
	s21 =	smul.u32 @!p1 $0xFE8400, s19  }
0xae: {  	[tilespmem:s20+$0x10330] =	vst v60  }
0xaf: {  	[tilespmem:s20+$0x10380] =	vst v61;
	s21 =	sshrl.u32 @!p1 s21, $0x3  }
0xb0: {  	[tilespmem:s20+$0x10390] =	vst v62;
	s22 =	simm.s32 @!p1 $0x10200;
	s21 =	sadd.s32 @!p1 s6, s21  }
0xb1: {  	[tilespmem:s20+$0x103A0] =	vst v63;
	s19 =	smul.u32 @!p0 $0xFE8400, s19;
	s20 =	sadd.s32 @!p1 $0x1FD000, s21;
	s21 =	simm.s32 @!p1 $0x0  }
0xb2: {  	[hbm4b:s20+s21] =	stream.linear.scatter @!p1 [tilespmem:s22], [sflag:$0x3], $0x80, $0x38;
	[tilespmem:$0x18200] =	vst v63  }
0xb3: {  	s18 =	sshll.u32 @!p0 s18, $0xF;
	s20 =	simm.s32 @!p1 $0x3  }
0xb4: {  	s18 =	sadd.s32 @!p0 s19, s18;
	_ =	swait.ge @!p1 [sflag:s20], $0x80  }
0xb5: {  	s19 =	simm.s32 @!p0 $0x0;
	s18 =	sshrl.u32 @!p0 s18, $0x3;
	[sflag:s20] =	ssyncset.done @!p1 $0x0  }
0xb6: {  	s18 =	sadd.s32 @!p0 s6, s18;
	[sflag:s20] =	ssyncadd.s32 @!p1 $0xFFFFFF80;
	s20 =	simm.s32 @!p0 $0x10200  }
0xb7: {  	[hbm4b:s18+s19] =	stream.linear.scatter @!p0 [tilespmem:s20], [sflag:$0x4], $0x8000, $0x38;
	[tilespmem:$0x18200] =	vst v63  }
.Ltmp9:
0xb8: {  	_ = 	snop;
	(pc) =	sbr.rel .LBB2_10-.Ltmp9, $4  }
0xb9: {  	s18 =	simm.s32 @!p0 $0x4  }
0xba: {  	_ =	swait.ge @!p0 [sflag:s18], $0x8000  }
0xbb: {  	[sflag:s18] =	ssyncset.done @!p0 $0x0  }
0xbc: {  	[sflag:s18] =	ssyncadd.s32 @!p0 $0xFFFF8000  }
.LBB2_12:
0xbd: {  	_ =	sfence.sel $0x180000  }
0xbe: {  	[bflag:$0x0] =	sbarrier.arrive $0xFFFF  }
0xbf: {  	p0 =	sne.s32 s1, $0x0;
	_ =	strace $0x90000047  }
0xc0: {  	s0 =	sadd.s32 @!p0 $0x100000, s0;
	[bflag:$0x2] =	sbarrier.arrive $0xFFFF  }
0xc1: {  	[sflag:s0] =	ssyncadd.tile.s32 @!p0 $0x1;
	_ =	shalt  }
.Lfunc_end2:
_tile_overlayer_lowered:
.L_overlay_start_2:
0xc2: {  	(tag) =	ssettag $0x2  }
0xc3: {  	s0 =	rddreg [dreg:$0x0];
	s2 =	stileid.u32  }
0xc4: {  	s1 =	rddreg [dreg:$0x1];
	p0 =	sne.s32 s2, $0x0  }
0xc5: {  	s3 =	rddreg [dreg:$0x2];
	[bflag:$0x3] =	sbarrier.arrive $0xFFFF;
	s2 =	simm.s32 @!p0 $0x1C03  }
0xc6: {  	[timem:s3], [sflag:s2] =	dma.local @!p0 [hbm:s0], s1  }
0xc7: {  	s0 =	simm.s32 @!p0 $0x3  }
0xc8: {  	_ =	swait.ge @!p0 [sflag:s0], s1  }
0xc9: {  	s1 =	ssub.s32 @!p0 $0x0, s1;
	[sflag:s0] =	ssyncset.done @!p0 $0x0  }
0xca: {  	[sflag:s0] =	ssyncadd.s32 @!p0 s1  }
0xcb: {  	[bflag:$0x3] =	sbarrier.arrive $0xFFFF  }
0xcc: {  	_ =	shalt  }

</sc_bundles>
